<compile_context>
chip_gen: v7x
topology: tpu7x:2x2x1
jax: 0.10.2.dev20260603
libtpu: 0.0.44.dev20260713+nightly
codegen_flags: <defaults>
</compile_context>

<pallas_src>
import functools

import jax
import jax.numpy as jnp
from jax import lax
from jax.experimental import pallas as pl
from jax.experimental.pallas import tpu as pltpu
from jax.experimental.pallas import tpu_sc as plsc

N = 10000
E = 320000
D = 128
ALPHA = 0.5

NPAD = 10240
ROWS_PER_TILE = NPAD // 16
SUBC = 16
EPT = E // SUBC
CHUNK = 128
NCHUNK = 160
EPT_PAD = NCHUNK * CHUNK
NPAIR = NCHUNK // 2
NFULL = EPT // CHUNK
TAIL = EPT - NFULL * CHUNK


@functools.lru_cache(maxsize=1)
def _mesh():
    return plsc.VectorSubcoreMesh(core_axis_name="c", subcore_axis_name="s",
                                  num_cores=2, num_subcores=SUBC)


def _make_deg_kernel():
    def body(dstp, ones, zeros128, hist_out, dst2d, ones_v, hist_sh, sem, semi):
        c = lax.axis_index("c")
        s = lax.axis_index("s")
        rbase = s * ROWS_PER_TILE
        pltpu.sync_copy(ones, ones_v)
        pltpu.async_copy(dstp.at[c, s], dst2d, semi).wait()
        for j in range(ROWS_PER_TILE // 128):
            pltpu.sync_copy(zeros128, hist_sh.at[pl.ds(rbase + j * 128, 128)])
        plsc.subcore_barrier()

        def group(i, carry):
            for j in range(16):
                pltpu.async_copy(ones_v, hist_sh.at[dst2d.at[i * 16 + j]], sem,
                                 add=True)
            for j in range(16):
                pltpu.make_async_copy(zeros128, ones_v, sem).wait()
            return carry

        lax.fori_loop(0, NCHUNK // 16, group, 0)
        plsc.subcore_barrier()
        pltpu.sync_copy(hist_sh.at[pl.ds(rbase, ROWS_PER_TILE)],
                        hist_out.at[c, pl.ds(rbase, ROWS_PER_TILE)])

    return pl.kernel(
        body,
        out_type=jax.ShapeDtypeStruct((2, NPAD, D), jnp.float32),
        mesh=_mesh(),
        scratch_types=[
            pltpu.VMEM((NCHUNK, CHUNK), jnp.int32),
            pltpu.VMEM((CHUNK, D), jnp.float32),
            pltpu.VMEM_SHARED((NPAD, D), jnp.float32),
            pltpu.SemaphoreType.DMA,
            pltpu.SemaphoreType.DMA,
        ],
    )


def _make_agg_kernel():
    def body(ei, g_tbl, zeros128, acc_out, idx_s, idx_d, idx_st, idx_dt,
             rows, rows_t, acc_sh, sem):
        c = lax.axis_index("c")
        s = lax.axis_index("s")
        rbase = s * ROWS_PER_TILE
        for j in range(ROWS_PER_TILE // 128):
            pltpu.sync_copy(zeros128, acc_sh.at[pl.ds(rbase + j * 128, 128)])
        plsc.subcore_barrier()

        def chunk(si_ref, di_ref, rows_ref, off):
            n = si_ref.shape[0]
            pltpu.async_copy(ei.at[pl.ds((1 - c) * E + off, n)], si_ref, sem).wait()
            pltpu.async_copy(ei.at[pl.ds(c * E + off, n)], di_ref, sem).wait()
            pltpu.async_copy(g_tbl.at[c].at[si_ref], rows_ref, sem).wait()
            pltpu.sync_copy(rows_ref, acc_sh.at[di_ref], add=True)

        def loop_body(k, carry):
            chunk(idx_s, idx_d, rows, s * EPT + k * CHUNK)
            return carry

        lax.fori_loop(0, NFULL, loop_body, 0)
        chunk(idx_st, idx_dt, rows_t, s * EPT + NFULL * CHUNK)
        plsc.subcore_barrier()
        pltpu.sync_copy(acc_sh.at[pl.ds(rbase, ROWS_PER_TILE)],
                        acc_out.at[c, pl.ds(rbase, ROWS_PER_TILE)])

    return pl.kernel(
        body,
        out_type=jax.ShapeDtypeStruct((2, NPAD, D), jnp.float32),
        mesh=_mesh(),
        scratch_types=[
            pltpu.VMEM((CHUNK,), jnp.int32),
            pltpu.VMEM((CHUNK,), jnp.int32),
            pltpu.VMEM((TAIL,), jnp.int32),
            pltpu.VMEM((TAIL,), jnp.int32),
            pltpu.VMEM((CHUNK, D), jnp.float32),
            pltpu.VMEM((TAIL, D), jnp.float32),
            pltpu.VMEM_SHARED((NPAD, D), jnp.float32),
            pltpu.SemaphoreType.DMA,
        ],
    )


_deg_kernel_c = functools.lru_cache(maxsize=1)(_make_deg_kernel)
_agg_kernel_c = functools.lru_cache(maxsize=1)(_make_agg_kernel)

_BROWS = 1000


def _scale_matmul_body(x_ref, w_ref, hist_ref, g_ref):
    g = pl.program_id(0)
    h = jnp.dot(x_ref[...], w_ref[0].T, preferred_element_type=jnp.float32)
    deg = hist_ref[0, :, 0:1]
    inv = jnp.where(deg > 0, lax.rsqrt(deg), 0.0)
    scale = jnp.where(g == 0, ALPHA, 1.0 - ALPHA)
    g_ref[0] = (scale * inv) * h


def _combine_body(acc_ref, hist_ref, b1_ref, b2_ref, out_ref):
    d0 = hist_ref[0, :, 0:1]
    d1 = hist_ref[1, :, 0:1]
    inv0 = jnp.where(d0 > 0, lax.rsqrt(d0), 0.0)
    inv1 = jnp.where(d1 > 0, lax.rsqrt(d1), 0.0)
    bias = ALPHA * b1_ref[0] + (1.0 - ALPHA) * b2_ref[0]
    out_ref[...] = inv0 * acc_ref[0] + inv1 * acc_ref[1] + bias[None, :]


@jax.jit
def kernel(x, edge_index, W1, b1, W2, b2):
    ones128 = jnp.ones((CHUNK, D), jnp.float32)
    zeros128 = jnp.zeros((128, D), jnp.float32)

    src = edge_index[::-1].reshape(2, SUBC, EPT)
    dst = edge_index.reshape(2, SUBC, EPT)
    srcp = jnp.pad(src, ((0, 0), (0, 0), (0, EPT_PAD - EPT)),
                   constant_values=0).reshape(2, SUBC, NCHUNK, CHUNK)
    dstp = jnp.pad(dst, ((0, 0), (0, 0), (0, EPT_PAD - EPT)),
                   constant_values=NPAD - 1).reshape(2, SUBC, NCHUNK, CHUNK)

    hist = _deg_kernel_c()(dstp, ones128, zeros128)

    wstack = jnp.stack([W1, W2])
    g_tbl = pl.pallas_call(
        _scale_matmul_body,
        grid=(2, N // _BROWS),
        in_specs=[
            pl.BlockSpec((_BROWS, D), lambda g, i: (i, 0)),
            pl.BlockSpec((1, D, D), lambda g, i: (g, 0, 0)),
            pl.BlockSpec((1, _BROWS, D), lambda g, i: (1 - g, i, 0)),
        ],
        out_specs=pl.BlockSpec((1, _BROWS, D), lambda g, i: (g, i, 0)),
        out_shape=jax.ShapeDtypeStruct((2, N, D), jnp.float32),
    )(x, wstack, hist)

    ei_flat = edge_index.reshape(-1)
    acc = _agg_kernel_c()(ei_flat, g_tbl, zeros128)

    out = pl.pallas_call(
        _combine_body,
        grid=(N // _BROWS,),
        in_specs=[
            pl.BlockSpec((2, _BROWS, D), lambda i: (0, i, 0)),
            pl.BlockSpec((2, _BROWS, D), lambda i: (0, i, 0)),
            pl.BlockSpec((1, D), lambda i: (0, 0)),
            pl.BlockSpec((1, D), lambda i: (0, 0)),
        ],
        out_specs=pl.BlockSpec((_BROWS, D), lambda i: (i, 0)),
        out_shape=jax.ShapeDtypeStruct((N, D), jnp.float32),
    )(acc, hist, b1.reshape(1, D), b2.reshape(1, D))
    return out

# --- scband reference (transcript-rebuilt; emitter-appended) ---
"""Pipeline reference for scband-dir-gcnconv-57432302682556 (READ-ONLY COPY).

The authoritative reference and input builder live on the scoring server;
editing this copy changes nothing except your own understanding.
"""

import jax, jax.numpy as jnp
import numpy as np

N = 10000
E = 320000
D = 128
ALPHA = 0.5


def setup_inputs(seed: int = 0) -> dict:
    key = jax.random.key(seed)
    k1, k2, k3, k4, k5, k6 = jax.random.split(key, 6)
    x = jax.random.normal(k1, (N, D), dtype=jnp.float32)
    edge_index = jax.random.randint(k2, (2, E), 0, N, dtype=jnp.int32)
    s = 1.0 / np.sqrt(D)
    W1 = jax.random.uniform(k3, (D, D), jnp.float32, -s, s)
    b1 = jax.random.uniform(k4, (D,), jnp.float32, -s, s)
    W2 = jax.random.uniform(k5, (D, D), jnp.float32, -s, s)
    b2 = jax.random.uniform(k6, (D,), jnp.float32, -s, s)
    return {"x": x, "edge_index": edge_index, "W1": W1, "b1": b1, "W2": W2, "b2": b2}


def reference(x, edge_index, W1, b1, W2, b2):
    # DirGCNConv forward with 'dir' normalization:
    #   adj_norm[i,j]   = A[i,j] / (sqrt(out_deg(i)) * sqrt(in_deg(j)))
    #   adj_t_norm      = directional norm of A^T (same per-edge weight)
    row = edge_index[0]
    col = edge_index[1]
    n = x.shape[0]
    ones = jnp.ones((row.shape[0],), dtype=x.dtype)
    out_deg = jax.ops.segment_sum(ones, row, num_segments=n)  # row sums of A
    in_deg = jax.ops.segment_sum(ones, col, num_segments=n)   # col sums of A
    out_inv = jnp.where(out_deg > 0, 1.0 / jnp.sqrt(out_deg), 0.0)
    in_inv = jnp.where(in_deg > 0, 1.0 / jnp.sqrt(in_deg), 0.0)
    w = out_inv[row] * in_inv[col]
    # adj_norm @ x : out[row] += w * x[col]
    agg_fwd = jax.ops.segment_sum(w[:, None] * x[col], row, num_segments=n)
    # adj_t_norm @ x : out[col] += w * x[row] (transposed edges, same weights)
    agg_bwd = jax.ops.segment_sum(w[:, None] * x[row], col, num_segments=n)
    y1 = agg_fwd @ W1.T + b1
    y2 = agg_bwd @ W2.T + b2
    return ALPHA * y1 + (1.0 - ALPHA) * y2

if __name__ == "__main__":
    import jax
    _d = setup_inputs()
    print(jax.jit(kernel)(*tuple(_d.values())))

</pallas_src>

<mosaic_0001>
#map = affine_map<(d0, d1) -> (0, 0, 0, 0)>
#map1 = affine_map<(d0, d1) -> (0, 0)>
#map2 = affine_map<(d0, d1) -> (0, 0, 0)>
module attributes {stable_mosaic.version = 14 : i64} {
  func.func @body(%arg0: i32, %arg1: i32, %arg2: memref<2x16x160x128xi32, #tpu.memory_space<hbm>>, %arg3: memref<128x128xf32, #tpu.memory_space<hbm>>, %arg4: memref<128x128xf32, #tpu.memory_space<hbm>>, %arg5: memref<2x10240x128xf32, #tpu.memory_space<hbm>>, %arg6: memref<160x128xi32, #tpu.memory_space<vmem>>, %arg7: memref<128x128xf32, #tpu.memory_space<vmem>>, %arg8: memref<10240x128xf32, #tpu.memory_space<vmem_shared>>, %arg9: memref<!tpu.dma_semaphore, #tpu.memory_space<semaphore_mem>>, %arg10: memref<!tpu.dma_semaphore, #tpu.memory_space<semaphore_mem>>) attributes {dimension_semantics = [#tpu.dimension_semantics<core_parallel>, #tpu.dimension_semantics<subcore_parallel>], iteration_bounds = array<i64: 2, 16>, scalar_prefetch = 0 : i64, scratch_operands = 5 : i64, tpu.core_type = #tpu.core_type<sc_vector_subcore>, window_params = [{transform_indices = #map}, {transform_indices = #map1}, {transform_indices = #map1}, {transform_indices = #map2}]} {
    %mul3A = arith.constant 640 : i32
    %mul3A_0 = arith.muli %arg1, %mul3A : i32
    "tpu.region"() ({
      %run_scoped3A = tpu.sem_alloc : memref<!tpu.dma_semaphore, #tpu.memory_space<semaphore_mem>>
      tpu.enqueue_dma source(%arg3 : memref<128x128xf32, #tpu.memory_space<hbm>>) target(%arg7 : memref<128x128xf32, #tpu.memory_space<vmem>>) target_semaphore(%run_scoped3A : memref<!tpu.dma_semaphore, #tpu.memory_space<semaphore_mem>>)
      tpu.wait_dma2 semaphore(%run_scoped3A : memref<!tpu.dma_semaphore, #tpu.memory_space<semaphore_mem>>) src(%arg3 : memref<128x128xf32, #tpu.memory_space<hbm>>) dst(%arg7 : memref<128x128xf32, #tpu.memory_space<vmem>>)
      tpu.yield
    }) : () -> ()
    %dma_start3A = arith.constant 0 : i32
    %dma_start3A_1 = arith.constant 0 : i32
    %dma_start3A_2 = tpu.memref_slice %arg2[%arg0, %arg1, %dma_start3A, %dma_start3A_1] : memref<2x16x160x128xi32, #tpu.memory_space<hbm>> -> memref<1x1x160x128xi32, #tpu.memory_space<hbm>>
    %dma_start3A_3 = tpu.memref_squeeze %dma_start3A_2 : memref<1x1x160x128xi32, #tpu.memory_space<hbm>> -> memref<160x128xi32, #tpu.memory_space<hbm>>
    %dma_start3A_4 = arith.constant 0 : i32
    %dma_start3A_5 = arith.constant 0 : i32
    %dma_start3A_6 = tpu.memref_slice %arg2[%arg0, %arg1, %dma_start3A_4, %dma_start3A_5] : memref<2x16x160x128xi32, #tpu.memory_space<hbm>> -> memref<1x1x160x128xi32, #tpu.memory_space<hbm>>
    %dma_start3A_7 = tpu.memref_squeeze %dma_start3A_6 : memref<1x1x160x128xi32, #tpu.memory_space<hbm>> -> memref<160x128xi32, #tpu.memory_space<hbm>>
    tpu.enqueue_dma source(%dma_start3A_7 : memref<160x128xi32, #tpu.memory_space<hbm>>) target(%arg6 : memref<160x128xi32, #tpu.memory_space<vmem>>) target_semaphore(%arg10 : memref<!tpu.dma_semaphore, #tpu.memory_space<semaphore_mem>>)
    %dma_wait3A = arith.constant 0 : i32
    %dma_wait3A_8 = arith.constant 0 : i32
    %dma_wait3A_9 = tpu.memref_slice %arg2[%arg0, %arg1, %dma_wait3A, %dma_wait3A_8] : memref<2x16x160x128xi32, #tpu.memory_space<hbm>> -> memref<1x1x160x128xi32, #tpu.memory_space<hbm>>
    %dma_wait3A_10 = tpu.memref_squeeze %dma_wait3A_9 : memref<1x1x160x128xi32, #tpu.memory_space<hbm>> -> memref<160x128xi32, #tpu.memory_space<hbm>>
    %dma_wait3A_11 = arith.constant 0 : i32
    %dma_wait3A_12 = arith.constant 0 : i32
    %dma_wait3A_13 = tpu.memref_slice %arg2[%arg0, %arg1, %dma_wait3A_11, %dma_wait3A_12] : memref<2x16x160x128xi32, #tpu.memory_space<hbm>> -> memref<1x1x160x128xi32, #tpu.memory_space<hbm>>
    %dma_wait3A_14 = tpu.memref_squeeze %dma_wait3A_13 : memref<1x1x160x128xi32, #tpu.memory_space<hbm>> -> memref<160x128xi32, #tpu.memory_space<hbm>>
    tpu.wait_dma2 semaphore(%arg10 : memref<!tpu.dma_semaphore, #tpu.memory_space<semaphore_mem>>) src(%dma_wait3A_14 : memref<160x128xi32, #tpu.memory_space<hbm>>) dst(%arg6 : memref<160x128xi32, #tpu.memory_space<vmem>>)
    %add3A = arith.constant 0 : i32
    %add3A_15 = arith.addi %mul3A_0, %add3A : i32
    "tpu.region"() ({
      %run_scoped3A = tpu.sem_alloc : memref<!tpu.dma_semaphore, #tpu.memory_space<semaphore_mem>>
      %dma_start3A_30 = arith.constant 0 : i32
      %dma_start3A_31 = tpu.memref_slice %arg8[%add3A_15, %dma_start3A_30] : memref<10240x128xf32, #tpu.memory_space<vmem_shared>> -> memref<128x128xf32, #tpu.memory_space<vmem_shared>>
      tpu.enqueue_dma source(%arg4 : memref<128x128xf32, #tpu.memory_space<hbm>>) target(%dma_start3A_31 : memref<128x128xf32, #tpu.memory_space<vmem_shared>>) target_semaphore(%run_scoped3A : memref<!tpu.dma_semaphore, #tpu.memory_space<semaphore_mem>>)
      %dma_wait3A_32 = arith.constant 0 : i32
      %dma_wait3A_33 = tpu.memref_slice %arg8[%add3A_15, %dma_wait3A_32] : memref<10240x128xf32, #tpu.memory_space<vmem_shared>> -> memref<128x128xf32, #tpu.memory_space<vmem_shared>>
      tpu.wait_dma2 semaphore(%run_scoped3A : memref<!tpu.dma_semaphore, #tpu.memory_space<semaphore_mem>>) src(%arg4 : memref<128x128xf32, #tpu.memory_space<hbm>>) dst(%dma_wait3A_33 : memref<128x128xf32, #tpu.memory_space<vmem_shared>>)
      tpu.yield
    }) : () -> ()
    %add3A_16 = arith.constant 128 : i32
    %add3A_17 = arith.addi %mul3A_0, %add3A_16 : i32
    "tpu.region"() ({
      %run_scoped3A = tpu.sem_alloc : memref<!tpu.dma_semaphore, #tpu.memory_space<semaphore_mem>>
      %dma_start3A_30 = arith.constant 0 : i32
      %dma_start3A_31 = tpu.memref_slice %arg8[%add3A_17, %dma_start3A_30] : memref<10240x128xf32, #tpu.memory_space<vmem_shared>> -> memref<128x128xf32, #tpu.memory_space<vmem_shared>>
      tpu.enqueue_dma source(%arg4 : memref<128x128xf32, #tpu.memory_space<hbm>>) target(%dma_start3A_31 : memref<128x128xf32, #tpu.memory_space<vmem_shared>>) target_semaphore(%run_scoped3A : memref<!tpu.dma_semaphore, #tpu.memory_space<semaphore_mem>>)
      %dma_wait3A_32 = arith.constant 0 : i32
      %dma_wait3A_33 = tpu.memref_slice %arg8[%add3A_17, %dma_wait3A_32] : memref<10240x128xf32, #tpu.memory_space<vmem_shared>> -> memref<128x128xf32, #tpu.memory_space<vmem_shared>>
      tpu.wait_dma2 semaphore(%run_scoped3A : memref<!tpu.dma_semaphore, #tpu.memory_space<semaphore_mem>>) src(%arg4 : memref<128x128xf32, #tpu.memory_space<hbm>>) dst(%dma_wait3A_33 : memref<128x128xf32, #tpu.memory_space<vmem_shared>>)
      tpu.yield
    }) : () -> ()
    %add3A_18 = arith.constant 256 : i32
    %add3A_19 = arith.addi %mul3A_0, %add3A_18 : i32
    "tpu.region"() ({
      %run_scoped3A = tpu.sem_alloc : memref<!tpu.dma_semaphore, #tpu.memory_space<semaphore_mem>>
      %dma_start3A_30 = arith.constant 0 : i32
      %dma_start3A_31 = tpu.memref_slice %arg8[%add3A_19, %dma_start3A_30] : memref<10240x128xf32, #tpu.memory_space<vmem_shared>> -> memref<128x128xf32, #tpu.memory_space<vmem_shared>>
      tpu.enqueue_dma source(%arg4 : memref<128x128xf32, #tpu.memory_space<hbm>>) target(%dma_start3A_31 : memref<128x128xf32, #tpu.memory_space<vmem_shared>>) target_semaphore(%run_scoped3A : memref<!tpu.dma_semaphore, #tpu.memory_space<semaphore_mem>>)
      %dma_wait3A_32 = arith.constant 0 : i32
      %dma_wait3A_33 = tpu.memref_slice %arg8[%add3A_19, %dma_wait3A_32] : memref<10240x128xf32, #tpu.memory_space<vmem_shared>> -> memref<128x128xf32, #tpu.memory_space<vmem_shared>>
      tpu.wait_dma2 semaphore(%run_scoped3A : memref<!tpu.dma_semaphore, #tpu.memory_space<semaphore_mem>>) src(%arg4 : memref<128x128xf32, #tpu.memory_space<hbm>>) dst(%dma_wait3A_33 : memref<128x128xf32, #tpu.memory_space<vmem_shared>>)
      tpu.yield
    }) : () -> ()
    %add3A_20 = arith.constant 384 : i32
    %add3A_21 = arith.addi %mul3A_0, %add3A_20 : i32
    "tpu.region"() ({
      %run_scoped3A = tpu.sem_alloc : memref<!tpu.dma_semaphore, #tpu.memory_space<semaphore_mem>>
      %dma_start3A_30 = arith.constant 0 : i32
      %dma_start3A_31 = tpu.memref_slice %arg8[%add3A_21, %dma_start3A_30] : memref<10240x128xf32, #tpu.memory_space<vmem_shared>> -> memref<128x128xf32, #tpu.memory_space<vmem_shared>>
      tpu.enqueue_dma source(%arg4 : memref<128x128xf32, #tpu.memory_space<hbm>>) target(%dma_start3A_31 : memref<128x128xf32, #tpu.memory_space<vmem_shared>>) target_semaphore(%run_scoped3A : memref<!tpu.dma_semaphore, #tpu.memory_space<semaphore_mem>>)
      %dma_wait3A_32 = arith.constant 0 : i32
      %dma_wait3A_33 = tpu.memref_slice %arg8[%add3A_21, %dma_wait3A_32] : memref<10240x128xf32, #tpu.memory_space<vmem_shared>> -> memref<128x128xf32, #tpu.memory_space<vmem_shared>>
      tpu.wait_dma2 semaphore(%run_scoped3A : memref<!tpu.dma_semaphore, #tpu.memory_space<semaphore_mem>>) src(%arg4 : memref<128x128xf32, #tpu.memory_space<hbm>>) dst(%dma_wait3A_33 : memref<128x128xf32, #tpu.memory_space<vmem_shared>>)
      tpu.yield
    }) : () -> ()
    %add3A_22 = arith.constant 512 : i32
    %add3A_23 = arith.addi %mul3A_0, %add3A_22 : i32
    "tpu.region"() ({
      %run_scoped3A = tpu.sem_alloc : memref<!tpu.dma_semaphore, #tpu.memory_space<semaphore_mem>>
      %dma_start3A_30 = arith.constant 0 : i32
      %dma_start3A_31 = tpu.memref_slice %arg8[%add3A_23, %dma_start3A_30] : memref<10240x128xf32, #tpu.memory_space<vmem_shared>> -> memref<128x128xf32, #tpu.memory_space<vmem_shared>>
      tpu.enqueue_dma source(%arg4 : memref<128x128xf32, #tpu.memory_space<hbm>>) target(%dma_start3A_31 : memref<128x128xf32, #tpu.memory_space<vmem_shared>>) target_semaphore(%run_scoped3A : memref<!tpu.dma_semaphore, #tpu.memory_space<semaphore_mem>>)
      %dma_wait3A_32 = arith.constant 0 : i32
      %dma_wait3A_33 = tpu.memref_slice %arg8[%add3A_23, %dma_wait3A_32] : memref<10240x128xf32, #tpu.memory_space<vmem_shared>> -> memref<128x128xf32, #tpu.memory_space<vmem_shared>>
      tpu.wait_dma2 semaphore(%run_scoped3A : memref<!tpu.dma_semaphore, #tpu.memory_space<semaphore_mem>>) src(%arg4 : memref<128x128xf32, #tpu.memory_space<hbm>>) dst(%dma_wait3A_33 : memref<128x128xf32, #tpu.memory_space<vmem_shared>>)
      tpu.yield
    }) : () -> ()
    %barrier3A = arith.constant 0 : index
    tpu.barrier barrier_id(%barrier3A)
    %scan3A = arith.constant 0 : i32
    %scan3A_24 = arith.constant 0 : i32
    %scan3A_25 = arith.constant 10 : i32
    %scan3A_26 = arith.addi %scan3A_24, %scan3A_25 : i32
    %scan3A_27 = arith.constant 1 : i32
    scf.for %scan3A_30 = %scan3A_24 to %scan3A_26 step %scan3A_27  : i32 {
      %mul3A_31 = arith.constant 16 : i32
      %mul3A_32 = arith.muli %scan3A_30, %mul3A_31 : i32
      %add3A_33 = arith.constant 0 : i32
      %add3A_34 = arith.addi %mul3A_32, %add3A_33 : i32
      %dma_start3A_35 = arith.constant 0 : i32
      %dma_start3A_36 = tpu.memref_slice %arg6[%add3A_34, %dma_start3A_35] : memref<160x128xi32, #tpu.memory_space<vmem>> -> memref<1x128xi32, #tpu.memory_space<vmem>>
      %dma_start3A_37 = tpu.memref_squeeze %dma_start3A_36 : memref<1x128xi32, #tpu.memory_space<vmem>> -> memref<128xi32, #tpu.memory_space<vmem>>
      %dma_start3A_38 = arith.constant 0 : i32
      %dma_start3A_39 = arith.constant 0 : i32
      %dma_start3A_40 = tpu.memref_slice %arg8[%dma_start3A_38, %dma_start3A_39] : memref<10240x128xf32, #tpu.memory_space<vmem_shared>> -> memref<10240x128xf32, #tpu.memory_space<vmem_shared>>
      tpu.enqueue_indirect_dma source(%arg7 : memref<128x128xf32, #tpu.memory_space<vmem>>) target(%dma_start3A_40 : memref<10240x128xf32, #tpu.memory_space<vmem_shared>>) offsets(%dma_start3A_37 : memref<128xi32, #tpu.memory_space<vmem>>) semaphore(%arg9 : memref<!tpu.dma_semaphore, #tpu.memory_space<semaphore_mem>>) {add = true}
      %mul3A_41 = arith.constant 16 : i32
      %mul3A_42 = arith.muli %scan3A_30, %mul3A_41 : i32
      %add3A_43 = arith.constant 1 : i32
      %add3A_44 = arith.addi %mul3A_42, %add3A_43 : i32
      %dma_start3A_45 = arith.constant 0 : i32
      %dma_start3A_46 = tpu.memref_slice %arg6[%add3A_44, %dma_start3A_45] : memref<160x128xi32, #tpu.memory_space<vmem>> -> memref<1x128xi32, #tpu.memory_space<vmem>>
      %dma_start3A_47 = tpu.memref_squeeze %dma_start3A_46 : memref<1x128xi32, #tpu.memory_space<vmem>> -> memref<128xi32, #tpu.memory_space<vmem>>
      %dma_start3A_48 = arith.constant 0 : i32
      %dma_start3A_49 = arith.constant 0 : i32
      %dma_start3A_50 = tpu.memref_slice %arg8[%dma_start3A_48, %dma_start3A_49] : memref<10240x128xf32, #tpu.memory_space<vmem_shared>> -> memref<10240x128xf32, #tpu.memory_space<vmem_shared>>
      tpu.enqueue_indirect_dma source(%arg7 : memref<128x128xf32, #tpu.memory_space<vmem>>) target(%dma_start3A_50 : memref<10240x128xf32, #tpu.memory_space<vmem_shared>>) offsets(%dma_start3A_47 : memref<128xi32, #tpu.memory_space<vmem>>) semaphore(%arg9 : memref<!tpu.dma_semaphore, #tpu.memory_space<semaphore_mem>>) {add = true}
      %mul3A_51 = arith.constant 16 : i32
      %mul3A_52 = arith.muli %scan3A_30, %mul3A_51 : i32
      %add3A_53 = arith.constant 2 : i32
      %add3A_54 = arith.addi %mul3A_52, %add3A_53 : i32
      %dma_start3A_55 = arith.constant 0 : i32
      %dma_start3A_56 = tpu.memref_slice %arg6[%add3A_54, %dma_start3A_55] : memref<160x128xi32, #tpu.memory_space<vmem>> -> memref<1x128xi32, #tpu.memory_space<vmem>>
      %dma_start3A_57 = tpu.memref_squeeze %dma_start3A_56 : memref<1x128xi32, #tpu.memory_space<vmem>> -> memref<128xi32, #tpu.memory_space<vmem>>
      %dma_start3A_58 = arith.constant 0 : i32
      %dma_start3A_59 = arith.constant 0 : i32
      %dma_start3A_60 = tpu.memref_slice %arg8[%dma_start3A_58, %dma_start3A_59] : memref<10240x128xf32, #tpu.memory_space<vmem_shared>> -> memref<10240x128xf32, #tpu.memory_space<vmem_shared>>
      tpu.enqueue_indirect_dma source(%arg7 : memref<128x128xf32, #tpu.memory_space<vmem>>) target(%dma_start3A_60 : memref<10240x128xf32, #tpu.memory_space<vmem_shared>>) offsets(%dma_start3A_57 : memref<128xi32, #tpu.memory_space<vmem>>) semaphore(%arg9 : memref<!tpu.dma_semaphore, #tpu.memory_space<semaphore_mem>>) {add = true}
      %mul3A_61 = arith.constant 16 : i32
      %mul3A_62 = arith.muli %scan3A_30, %mul3A_61 : i32
      %add3A_63 = arith.constant 3 : i32
      %add3A_64 = arith.addi %mul3A_62, %add3A_63 : i32
      %dma_start3A_65 = arith.constant 0 : i32
      %dma_start3A_66 = tpu.memref_slice %arg6[%add3A_64, %dma_start3A_65] : memref<160x128xi32, #tpu.memory_space<vmem>> -> memref<1x128xi32, #tpu.memory_space<vmem>>
      %dma_start3A_67 = tpu.memref_squeeze %dma_start3A_66 : memref<1x128xi32, #tpu.memory_space<vmem>> -> memref<128xi32, #tpu.memory_space<vmem>>
      %dma_start3A_68 = arith.constant 0 : i32
      %dma_start3A_69 = arith.constant 0 : i32
      %dma_start3A_70 = tpu.memref_slice %arg8[%dma_start3A_68, %dma_start3A_69] : memref<10240x128xf32, #tpu.memory_space<vmem_shared>> -> memref<10240x128xf32, #tpu.memory_space<vmem_shared>>
      tpu.enqueue_indirect_dma source(%arg7 : memref<128x128xf32, #tpu.memory_space<vmem>>) target(%dma_start3A_70 : memref<10240x128xf32, #tpu.memory_space<vmem_shared>>) offsets(%dma_start3A_67 : memref<128xi32, #tpu.memory_space<vmem>>) semaphore(%arg9 : memref<!tpu.dma_semaphore, #tpu.memory_space<semaphore_mem>>) {add = true}
      %mul3A_71 = arith.constant 16 : i32
      %mul3A_72 = arith.muli %scan3A_30, %mul3A_71 : i32
      %add3A_73 = arith.constant 4 : i32
      %add3A_74 = arith.addi %mul3A_72, %add3A_73 : i32
      %dma_start3A_75 = arith.constant 0 : i32
      %dma_start3A_76 = tpu.memref_slice %arg6[%add3A_74, %dma_start3A_75] : memref<160x128xi32, #tpu.memory_space<vmem>> -> memref<1x128xi32, #tpu.memory_space<vmem>>
      %dma_start3A_77 = tpu.memref_squeeze %dma_start3A_76 : memref<1x128xi32, #tpu.memory_space<vmem>> -> memref<128xi32, #tpu.memory_space<vmem>>
      %dma_start3A_78 = arith.constant 0 : i32
      %dma_start3A_79 = arith.constant 0 : i32
      %dma_start3A_80 = tpu.memref_slice %arg8[%dma_start3A_78, %dma_start3A_79] : memref<10240x128xf32, #tpu.memory_space<vmem_shared>> -> memref<10240x128xf32, #tpu.memory_space<vmem_shared>>
      tpu.enqueue_indirect_dma source(%arg7 : memref<128x128xf32, #tpu.memory_space<vmem>>) target(%dma_start3A_80 : memref<10240x128xf32, #tpu.memory_space<vmem_shared>>) offsets(%dma_start3A_77 : memref<128xi32, #tpu.memory_space<vmem>>) semaphore(%arg9 : memref<!tpu.dma_semaphore, #tpu.memory_space<semaphore_mem>>) {add = true}
      %mul3A_81 = arith.constant 16 : i32
      %mul3A_82 = arith.muli %scan3A_30, %mul3A_81 : i32
      %add3A_83 = arith.constant 5 : i32
      %add3A_84 = arith.addi %mul3A_82, %add3A_83 : i32
      %dma_start3A_85 = arith.constant 0 : i32
      %dma_start3A_86 = tpu.memref_slice %arg6[%add3A_84, %dma_start3A_85] : memref<160x128xi32, #tpu.memory_space<vmem>> -> memref<1x128xi32, #tpu.memory_space<vmem>>
      %dma_start3A_87 = tpu.memref_squeeze %dma_start3A_86 : memref<1x128xi32, #tpu.memory_space<vmem>> -> memref<128xi32, #tpu.memory_space<vmem>>
      %dma_start3A_88 = arith.constant 0 : i32
      %dma_start3A_89 = arith.constant 0 : i32
      %dma_start3A_90 = tpu.memref_slice %arg8[%dma_start3A_88, %dma_start3A_89] : memref<10240x128xf32, #tpu.memory_space<vmem_shared>> -> memref<10240x128xf32, #tpu.memory_space<vmem_shared>>
      tpu.enqueue_indirect_dma source(%arg7 : memref<128x128xf32, #tpu.memory_space<vmem>>) target(%dma_start3A_90 : memref<10240x128xf32, #tpu.memory_space<vmem_shared>>) offsets(%dma_start3A_87 : memref<128xi32, #tpu.memory_space<vmem>>) semaphore(%arg9 : memref<!tpu.dma_semaphore, #tpu.memory_space<semaphore_mem>>) {add = true}
      %mul3A_91 = arith.constant 16 : i32
      %mul3A_92 = arith.muli %scan3A_30, %mul3A_91 : i32
      %add3A_93 = arith.constant 6 : i32
      %add3A_94 = arith.addi %mul3A_92, %add3A_93 : i32
      %dma_start3A_95 = arith.constant 0 : i32
      %dma_start3A_96 = tpu.memref_slice %arg6[%add3A_94, %dma_start3A_95] : memref<160x128xi32, #tpu.memory_space<vmem>> -> memref<1x128xi32, #tpu.memory_space<vmem>>
      %dma_start3A_97 = tpu.memref_squeeze %dma_start3A_96 : memref<1x128xi32, #tpu.memory_space<vmem>> -> memref<128xi32, #tpu.memory_space<vmem>>
      %dma_start3A_98 = arith.constant 0 : i32
      %dma_start3A_99 = arith.constant 0 : i32
      %dma_start3A_100 = tpu.memref_slice %arg8[%dma_start3A_98, %dma_start3A_99] : memref<10240x128xf32, #tpu.memory_space<vmem_shared>> -> memref<10240x128xf32, #tpu.memory_space<vmem_shared>>
      tpu.enqueue_indirect_dma source(%arg7 : memref<128x128xf32, #tpu.memory_space<vmem>>) target(%dma_start3A_100 : memref<10240x128xf32, #tpu.memory_space<vmem_shared>>) offsets(%dma_start3A_97 : memref<128xi32, #tpu.memory_space<vmem>>) semaphore(%arg9 : memref<!tpu.dma_semaphore, #tpu.memory_space<semaphore_mem>>) {add = true}
      %mul3A_101 = arith.constant 16 : i32
      %mul3A_102 = arith.muli %scan3A_30, %mul3A_101 : i32
      %add3A_103 = arith.constant 7 : i32
      %add3A_104 = arith.addi %mul3A_102, %add3A_103 : i32
      %dma_start3A_105 = arith.constant 0 : i32
      %dma_start3A_106 = tpu.memref_slice %arg6[%add3A_104, %dma_start3A_105] : memref<160x128xi32, #tpu.memory_space<vmem>> -> memref<1x128xi32, #tpu.memory_space<vmem>>
      %dma_start3A_107 = tpu.memref_squeeze %dma_start3A_106 : memref<1x128xi32, #tpu.memory_space<vmem>> -> memref<128xi32, #tpu.memory_space<vmem>>
      %dma_start3A_108 = arith.constant 0 : i32
      %dma_start3A_109 = arith.constant 0 : i32
      %dma_start3A_110 = tpu.memref_slice %arg8[%dma_start3A_108, %dma_start3A_109] : memref<10240x128xf32, #tpu.memory_space<vmem_shared>> -> memref<10240x128xf32, #tpu.memory_space<vmem_shared>>
      tpu.enqueue_indirect_dma source(%arg7 : memref<128x128xf32, #tpu.memory_space<vmem>>) target(%dma_start3A_110 : memref<10240x128xf32, #tpu.memory_space<vmem_shared>>) offsets(%dma_start3A_107 : memref<128xi32, #tpu.memory_space<vmem>>) semaphore(%arg9 : memref<!tpu.dma_semaphore, #tpu.memory_space<semaphore_mem>>) {add = true}
      %mul3A_111 = arith.constant 16 : i32
      %mul3A_112 = arith.muli %scan3A_30, %mul3A_111 : i32
      %add3A_113 = arith.constant 8 : i32
      %add3A_114 = arith.addi %mul3A_112, %add3A_113 : i32
      %dma_start3A_115 = arith.constant 0 : i32
      %dma_start3A_116 = tpu.memref_slice %arg6[%add3A_114, %dma_start3A_115] : memref<160x128xi32, #tpu.memory_space<vmem>> -> memref<1x128xi32, #tpu.memory_space<vmem>>
      %dma_start3A_117 = tpu.memref_squeeze %dma_start3A_116 : memref<1x128xi32, #tpu.memory_space<vmem>> -> memref<128xi32, #tpu.memory_space<vmem>>
      %dma_start3A_118 = arith.constant 0 : i32
      %dma_start3A_119 = arith.constant 0 : i32
      %dma_start3A_120 = tpu.memref_slice %arg8[%dma_start3A_118, %dma_start3A_119] : memref<10240x128xf32, #tpu.memory_space<vmem_shared>> -> memref<10240x128xf32, #tpu.memory_space<vmem_shared>>
      tpu.enqueue_indirect_dma source(%arg7 : memref<128x128xf32, #tpu.memory_space<vmem>>) target(%dma_start3A_120 : memref<10240x128xf32, #tpu.memory_space<vmem_shared>>) offsets(%dma_start3A_117 : memref<128xi32, #tpu.memory_space<vmem>>) semaphore(%arg9 : memref<!tpu.dma_semaphore, #tpu.memory_space<semaphore_mem>>) {add = true}
      %mul3A_121 = arith.constant 16 : i32
      %mul3A_122 = arith.muli %scan3A_30, %mul3A_121 : i32
      %add3A_123 = arith.constant 9 : i32
      %add3A_124 = arith.addi %mul3A_122, %add3A_123 : i32
      %dma_start3A_125 = arith.constant 0 : i32
      %dma_start3A_126 = tpu.memref_slice %arg6[%add3A_124, %dma_start3A_125] : memref<160x128xi32, #tpu.memory_space<vmem>> -> memref<1x128xi32, #tpu.memory_space<vmem>>
      %dma_start3A_127 = tpu.memref_squeeze %dma_start3A_126 : memref<1x128xi32, #tpu.memory_space<vmem>> -> memref<128xi32, #tpu.memory_space<vmem>>
      %dma_start3A_128 = arith.constant 0 : i32
      %dma_start3A_129 = arith.constant 0 : i32
      %dma_start3A_130 = tpu.memref_slice %arg8[%dma_start3A_128, %dma_start3A_129] : memref<10240x128xf32, #tpu.memory_space<vmem_shared>> -> memref<10240x128xf32, #tpu.memory_space<vmem_shared>>
      tpu.enqueue_indirect_dma source(%arg7 : memref<128x128xf32, #tpu.memory_space<vmem>>) target(%dma_start3A_130 : memref<10240x128xf32, #tpu.memory_space<vmem_shared>>) offsets(%dma_start3A_127 : memref<128xi32, #tpu.memory_space<vmem>>) semaphore(%arg9 : memref<!tpu.dma_semaphore, #tpu.memory_space<semaphore_mem>>) {add = true}
      %mul3A_131 = arith.constant 16 : i32
      %mul3A_132 = arith.muli %scan3A_30, %mul3A_131 : i32
      %add3A_133 = arith.constant 10 : i32
      %add3A_134 = arith.addi %mul3A_132, %add3A_133 : i32
      %dma_start3A_135 = arith.constant 0 : i32
      %dma_start3A_136 = tpu.memref_slice %arg6[%add3A_134, %dma_start3A_135] : memref<160x128xi32, #tpu.memory_space<vmem>> -> memref<1x128xi32, #tpu.memory_space<vmem>>
      %dma_start3A_137 = tpu.memref_squeeze %dma_start3A_136 : memref<1x128xi32, #tpu.memory_space<vmem>> -> memref<128xi32, #tpu.memory_space<vmem>>
      %dma_start3A_138 = arith.constant 0 : i32
      %dma_start3A_139 = arith.constant 0 : i32
      %dma_start3A_140 = tpu.memref_slice %arg8[%dma_start3A_138, %dma_start3A_139] : memref<10240x128xf32, #tpu.memory_space<vmem_shared>> -> memref<10240x128xf32, #tpu.memory_space<vmem_shared>>
      tpu.enqueue_indirect_dma source(%arg7 : memref<128x128xf32, #tpu.memory_space<vmem>>) target(%dma_start3A_140 : memref<10240x128xf32, #tpu.memory_space<vmem_shared>>) offsets(%dma_start3A_137 : memref<128xi32, #tpu.memory_space<vmem>>) semaphore(%arg9 : memref<!tpu.dma_semaphore, #tpu.memory_space<semaphore_mem>>) {add = true}
      %mul3A_141 = arith.constant 16 : i32
      %mul3A_142 = arith.muli %scan3A_30, %mul3A_141 : i32
      %add3A_143 = arith.constant 11 : i32
      %add3A_144 = arith.addi %mul3A_142, %add3A_143 : i32
      %dma_start3A_145 = arith.constant 0 : i32
      %dma_start3A_146 = tpu.memref_slice %arg6[%add3A_144, %dma_start3A_145] : memref<160x128xi32, #tpu.memory_space<vmem>> -> memref<1x128xi32, #tpu.memory_space<vmem>>
      %dma_start3A_147 = tpu.memref_squeeze %dma_start3A_146 : memref<1x128xi32, #tpu.memory_space<vmem>> -> memref<128xi32, #tpu.memory_space<vmem>>
      %dma_start3A_148 = arith.constant 0 : i32
      %dma_start3A_149 = arith.constant 0 : i32
      %dma_start3A_150 = tpu.memref_slice %arg8[%dma_start3A_148, %dma_start3A_149] : memref<10240x128xf32, #tpu.memory_space<vmem_shared>> -> memref<10240x128xf32, #tpu.memory_space<vmem_shared>>
      tpu.enqueue_indirect_dma source(%arg7 : memref<128x128xf32, #tpu.memory_space<vmem>>) target(%dma_start3A_150 : memref<10240x128xf32, #tpu.memory_space<vmem_shared>>) offsets(%dma_start3A_147 : memref<128xi32, #tpu.memory_space<vmem>>) semaphore(%arg9 : memref<!tpu.dma_semaphore, #tpu.memory_space<semaphore_mem>>) {add = true}
      %mul3A_151 = arith.constant 16 : i32
      %mul3A_152 = arith.muli %scan3A_30, %mul3A_151 : i32
      %add3A_153 = arith.constant 12 : i32
      %add3A_154 = arith.addi %mul3A_152, %add3A_153 : i32
      %dma_start3A_155 = arith.constant 0 : i32
      %dma_start3A_156 = tpu.memref_slice %arg6[%add3A_154, %dma_start3A_155] : memref<160x128xi32, #tpu.memory_space<vmem>> -> memref<1x128xi32, #tpu.memory_space<vmem>>
      %dma_start3A_157 = tpu.memref_squeeze %dma_start3A_156 : memref<1x128xi32, #tpu.memory_space<vmem>> -> memref<128xi32, #tpu.memory_space<vmem>>
      %dma_start3A_158 = arith.constant 0 : i32
      %dma_start3A_159 = arith.constant 0 : i32
      %dma_start3A_160 = tpu.memref_slice %arg8[%dma_start3A_158, %dma_start3A_159] : memref<10240x128xf32, #tpu.memory_space<vmem_shared>> -> memref<10240x128xf32, #tpu.memory_space<vmem_shared>>
      tpu.enqueue_indirect_dma source(%arg7 : memref<128x128xf32, #tpu.memory_space<vmem>>) target(%dma_start3A_160 : memref<10240x128xf32, #tpu.memory_space<vmem_shared>>) offsets(%dma_start3A_157 : memref<128xi32, #tpu.memory_space<vmem>>) semaphore(%arg9 : memref<!tpu.dma_semaphore, #tpu.memory_space<semaphore_mem>>) {add = true}
      %mul3A_161 = arith.constant 16 : i32
      %mul3A_162 = arith.muli %scan3A_30, %mul3A_161 : i32
      %add3A_163 = arith.constant 13 : i32
      %add3A_164 = arith.addi %mul3A_162, %add3A_163 : i32
      %dma_start3A_165 = arith.constant 0 : i32
      %dma_start3A_166 = tpu.memref_slice %arg6[%add3A_164, %dma_start3A_165] : memref<160x128xi32, #tpu.memory_space<vmem>> -> memref<1x128xi32, #tpu.memory_space<vmem>>
      %dma_start3A_167 = tpu.memref_squeeze %dma_start3A_166 : memref<1x128xi32, #tpu.memory_space<vmem>> -> memref<128xi32, #tpu.memory_space<vmem>>
      %dma_start3A_168 = arith.constant 0 : i32
      %dma_start3A_169 = arith.constant 0 : i32
      %dma_start3A_170 = tpu.memref_slice %arg8[%dma_start3A_168, %dma_start3A_169] : memref<10240x128xf32, #tpu.memory_space<vmem_shared>> -> memref<10240x128xf32, #tpu.memory_space<vmem_shared>>
      tpu.enqueue_indirect_dma source(%arg7 : memref<128x128xf32, #tpu.memory_space<vmem>>) target(%dma_start3A_170 : memref<10240x128xf32, #tpu.memory_space<vmem_shared>>) offsets(%dma_start3A_167 : memref<128xi32, #tpu.memory_space<vmem>>) semaphore(%arg9 : memref<!tpu.dma_semaphore, #tpu.memory_space<semaphore_mem>>) {add = true}
      %mul3A_171 = arith.constant 16 : i32
      %mul3A_172 = arith.muli %scan3A_30, %mul3A_171 : i32
      %add3A_173 = arith.constant 14 : i32
      %add3A_174 = arith.addi %mul3A_172, %add3A_173 : i32
      %dma_start3A_175 = arith.constant 0 : i32
      %dma_start3A_176 = tpu.memref_slice %arg6[%add3A_174, %dma_start3A_175] : memref<160x128xi32, #tpu.memory_space<vmem>> -> memref<1x128xi32, #tpu.memory_space<vmem>>
      %dma_start3A_177 = tpu.memref_squeeze %dma_start3A_176 : memref<1x128xi32, #tpu.memory_space<vmem>> -> memref<128xi32, #tpu.memory_space<vmem>>
      %dma_start3A_178 = arith.constant 0 : i32
      %dma_start3A_179 = arith.constant 0 : i32
      %dma_start3A_180 = tpu.memref_slice %arg8[%dma_start3A_178, %dma_start3A_179] : memref<10240x128xf32, #tpu.memory_space<vmem_shared>> -> memref<10240x128xf32, #tpu.memory_space<vmem_shared>>
      tpu.enqueue_indirect_dma source(%arg7 : memref<128x128xf32, #tpu.memory_space<vmem>>) target(%dma_start3A_180 : memref<10240x128xf32, #tpu.memory_space<vmem_shared>>) offsets(%dma_start3A_177 : memref<128xi32, #tpu.memory_space<vmem>>) semaphore(%arg9 : memref<!tpu.dma_semaphore, #tpu.memory_space<semaphore_mem>>) {add = true}
      %mul3A_181 = arith.constant 16 : i32
      %mul3A_182 = arith.muli %scan3A_30, %mul3A_181 : i32
      %add3A_183 = arith.constant 15 : i32
      %add3A_184 = arith.addi %mul3A_182, %add3A_183 : i32
      %dma_start3A_185 = arith.constant 0 : i32
      %dma_start3A_186 = tpu.memref_slice %arg6[%add3A_184, %dma_start3A_185] : memref<160x128xi32, #tpu.memory_space<vmem>> -> memref<1x128xi32, #tpu.memory_space<vmem>>
      %dma_start3A_187 = tpu.memref_squeeze %dma_start3A_186 : memref<1x128xi32, #tpu.memory_space<vmem>> -> memref<128xi32, #tpu.memory_space<vmem>>
      %dma_start3A_188 = arith.constant 0 : i32
      %dma_start3A_189 = arith.constant 0 : i32
      %dma_start3A_190 = tpu.memref_slice %arg8[%dma_start3A_188, %dma_start3A_189] : memref<10240x128xf32, #tpu.memory_space<vmem_shared>> -> memref<10240x128xf32, #tpu.memory_space<vmem_shared>>
      tpu.enqueue_indirect_dma source(%arg7 : memref<128x128xf32, #tpu.memory_space<vmem>>) target(%dma_start3A_190 : memref<10240x128xf32, #tpu.memory_space<vmem_shared>>) offsets(%dma_start3A_187 : memref<128xi32, #tpu.memory_space<vmem>>) semaphore(%arg9 : memref<!tpu.dma_semaphore, #tpu.memory_space<semaphore_mem>>) {add = true}
      tpu.wait_dma2 semaphore(%arg9 : memref<!tpu.dma_semaphore, #tpu.memory_space<semaphore_mem>>) src(%arg4 : memref<128x128xf32, #tpu.memory_space<hbm>>) dst(%arg7 : memref<128x128xf32, #tpu.memory_space<vmem>>)
      tpu.wait_dma2 semaphore(%arg9 : memref<!tpu.dma_semaphore, #tpu.memory_space<semaphore_mem>>) src(%arg4 : memref<128x128xf32, #tpu.memory_space<hbm>>) dst(%arg7 : memref<128x128xf32, #tpu.memory_space<vmem>>)
      tpu.wait_dma2 semaphore(%arg9 : memref<!tpu.dma_semaphore, #tpu.memory_space<semaphore_mem>>) src(%arg4 : memref<128x128xf32, #tpu.memory_space<hbm>>) dst(%arg7 : memref<128x128xf32, #tpu.memory_space<vmem>>)
      tpu.wait_dma2 semaphore(%arg9 : memref<!tpu.dma_semaphore, #tpu.memory_space<semaphore_mem>>) src(%arg4 : memref<128x128xf32, #tpu.memory_space<hbm>>) dst(%arg7 : memref<128x128xf32, #tpu.memory_space<vmem>>)
      tpu.wait_dma2 semaphore(%arg9 : memref<!tpu.dma_semaphore, #tpu.memory_space<semaphore_mem>>) src(%arg4 : memref<128x128xf32, #tpu.memory_space<hbm>>) dst(%arg7 : memref<128x128xf32, #tpu.memory_space<vmem>>)
      tpu.wait_dma2 semaphore(%arg9 : memref<!tpu.dma_semaphore, #tpu.memory_space<semaphore_mem>>) src(%arg4 : memref<128x128xf32, #tpu.memory_space<hbm>>) dst(%arg7 : memref<128x128xf32, #tpu.memory_space<vmem>>)
      tpu.wait_dma2 semaphore(%arg9 : memref<!tpu.dma_semaphore, #tpu.memory_space<semaphore_mem>>) src(%arg4 : memref<128x128xf32, #tpu.memory_space<hbm>>) dst(%arg7 : memref<128x128xf32, #tpu.memory_space<vmem>>)
      tpu.wait_dma2 semaphore(%arg9 : memref<!tpu.dma_semaphore, #tpu.memory_space<semaphore_mem>>) src(%arg4 : memref<128x128xf32, #tpu.memory_space<hbm>>) dst(%arg7 : memref<128x128xf32, #tpu.memory_space<vmem>>)
      tpu.wait_dma2 semaphore(%arg9 : memref<!tpu.dma_semaphore, #tpu.memory_space<semaphore_mem>>) src(%arg4 : memref<128x128xf32, #tpu.memory_space<hbm>>) dst(%arg7 : memref<128x128xf32, #tpu.memory_space<vmem>>)
      tpu.wait_dma2 semaphore(%arg9 : memref<!tpu.dma_semaphore, #tpu.memory_space<semaphore_mem>>) src(%arg4 : memref<128x128xf32, #tpu.memory_space<hbm>>) dst(%arg7 : memref<128x128xf32, #tpu.memory_space<vmem>>)
      tpu.wait_dma2 semaphore(%arg9 : memref<!tpu.dma_semaphore, #tpu.memory_space<semaphore_mem>>) src(%arg4 : memref<128x128xf32, #tpu.memory_space<hbm>>) dst(%arg7 : memref<128x128xf32, #tpu.memory_space<vmem>>)
      tpu.wait_dma2 semaphore(%arg9 : memref<!tpu.dma_semaphore, #tpu.memory_space<semaphore_mem>>) src(%arg4 : memref<128x128xf32, #tpu.memory_space<hbm>>) dst(%arg7 : memref<128x128xf32, #tpu.memory_space<vmem>>)
      tpu.wait_dma2 semaphore(%arg9 : memref<!tpu.dma_semaphore, #tpu.memory_space<semaphore_mem>>) src(%arg4 : memref<128x128xf32, #tpu.memory_space<hbm>>) dst(%arg7 : memref<128x128xf32, #tpu.memory_space<vmem>>)
      tpu.wait_dma2 semaphore(%arg9 : memref<!tpu.dma_semaphore, #tpu.memory_space<semaphore_mem>>) src(%arg4 : memref<128x128xf32, #tpu.memory_space<hbm>>) dst(%arg7 : memref<128x128xf32, #tpu.memory_space<vmem>>)
      tpu.wait_dma2 semaphore(%arg9 : memref<!tpu.dma_semaphore, #tpu.memory_space<semaphore_mem>>) src(%arg4 : memref<128x128xf32, #tpu.memory_space<hbm>>) dst(%arg7 : memref<128x128xf32, #tpu.memory_space<vmem>>)
      tpu.wait_dma2 semaphore(%arg9 : memref<!tpu.dma_semaphore, #tpu.memory_space<semaphore_mem>>) src(%arg4 : memref<128x128xf32, #tpu.memory_space<hbm>>) dst(%arg7 : memref<128x128xf32, #tpu.memory_space<vmem>>)
    }
    %scan3A_28 = arith.constant 10 : i32
    %barrier3A_29 = arith.constant 0 : index
    tpu.barrier barrier_id(%barrier3A_29)
    "tpu.region"() ({
      %run_scoped3A = tpu.sem_alloc : memref<!tpu.dma_semaphore, #tpu.memory_space<semaphore_mem>>
      %dma_start3A_30 = arith.constant 0 : i32
      %dma_start3A_31 = tpu.memref_slice %arg5[%arg0, %mul3A_0, %dma_start3A_30] : memref<2x10240x128xf32, #tpu.memory_space<hbm>> -> memref<1x640x128xf32, #tpu.memory_space<hbm>>
      %dma_start3A_32 = tpu.memref_squeeze %dma_start3A_31 : memref<1x640x128xf32, #tpu.memory_space<hbm>> -> memref<640x128xf32, #tpu.memory_space<hbm>>
      %dma_start3A_33 = arith.constant 0 : i32
      %dma_start3A_34 = tpu.memref_slice %arg8[%mul3A_0, %dma_start3A_33] : memref<10240x128xf32, #tpu.memory_space<vmem_shared>> -> memref<640x128xf32, #tpu.memory_space<vmem_shared>>
      tpu.enqueue_dma source(%dma_start3A_34 : memref<640x128xf32, #tpu.memory_space<vmem_shared>>) target(%dma_start3A_32 : memref<640x128xf32, #tpu.memory_space<hbm>>) target_semaphore(%run_scoped3A : memref<!tpu.dma_semaphore, #tpu.memory_space<semaphore_mem>>)
      %dma_wait3A_35 = arith.constant 0 : i32
      %dma_wait3A_36 = tpu.memref_slice %arg5[%arg0, %mul3A_0, %dma_wait3A_35] : memref<2x10240x128xf32, #tpu.memory_space<hbm>> -> memref<1x640x128xf32, #tpu.memory_space<hbm>>
      %dma_wait3A_37 = tpu.memref_squeeze %dma_wait3A_36 : memref<1x640x128xf32, #tpu.memory_space<hbm>> -> memref<640x128xf32, #tpu.memory_space<hbm>>
      %dma_wait3A_38 = arith.constant 0 : i32
      %dma_wait3A_39 = tpu.memref_slice %arg8[%mul3A_0, %dma_wait3A_38] : memref<10240x128xf32, #tpu.memory_space<vmem_shared>> -> memref<640x128xf32, #tpu.memory_space<vmem_shared>>
      tpu.wait_dma2 semaphore(%run_scoped3A : memref<!tpu.dma_semaphore, #tpu.memory_space<semaphore_mem>>) src(%dma_wait3A_39 : memref<640x128xf32, #tpu.memory_space<vmem_shared>>) dst(%dma_wait3A_37 : memref<640x128xf32, #tpu.memory_space<hbm>>)
      tpu.yield
    }) : () -> ()
    return
  }
}

#map = affine_map<(d0, d1) -> (0)>
#map1 = affine_map<(d0, d1) -> (0, 0, 0)>
#map2 = affine_map<(d0, d1) -> (0, 0)>
module attributes {stable_mosaic.version = 14 : i64} {
  func.func @body(%arg0: i32, %arg1: i32, %arg2: memref<640000xi32, #tpu.memory_space<hbm>>, %arg3: memref<2x10000x128xf32, #tpu.memory_space<hbm>>, %arg4: memref<128x128xf32, #tpu.memory_space<hbm>>, %arg5: memref<2x10240x128xf32, #tpu.memory_space<hbm>>, %arg6: memref<128xi32, #tpu.memory_space<vmem>>, %arg7: memref<128xi32, #tpu.memory_space<vmem>>, %arg8: memref<32xi32, #tpu.memory_space<vmem>>, %arg9: memref<32xi32, #tpu.memory_space<vmem>>, %arg10: memref<128x128xf32, #tpu.memory_space<vmem>>, %arg11: memref<32x128xf32, #tpu.memory_space<vmem>>, %arg12: memref<10240x128xf32, #tpu.memory_space<vmem_shared>>, %arg13: memref<!tpu.dma_semaphore, #tpu.memory_space<semaphore_mem>>) attributes {dimension_semantics = [#tpu.dimension_semantics<core_parallel>, #tpu.dimension_semantics<subcore_parallel>], iteration_bounds = array<i64: 2, 16>, scalar_prefetch = 0 : i64, scratch_operands = 8 : i64, tpu.core_type = #tpu.core_type<sc_vector_subcore>, window_params = [{transform_indices = #map}, {transform_indices = #map1}, {transform_indices = #map2}, {transform_indices = #map1}]} {
    %mul3A = arith.constant 640 : i32
    %mul3A_0 = arith.muli %arg1, %mul3A : i32
    %add3A = arith.constant 0 : i32
    %add3A_1 = arith.addi %mul3A_0, %add3A : i32
    "tpu.region"() ({
      %run_scoped3A = tpu.sem_alloc : memref<!tpu.dma_semaphore, #tpu.memory_space<semaphore_mem>>
      %dma_start3A_47 = arith.constant 0 : i32
      %dma_start3A_48 = tpu.memref_slice %arg12[%add3A_1, %dma_start3A_47] : memref<10240x128xf32, #tpu.memory_space<vmem_shared>> -> memref<128x128xf32, #tpu.memory_space<vmem_shared>>
      tpu.enqueue_dma source(%arg4 : memref<128x128xf32, #tpu.memory_space<hbm>>) target(%dma_start3A_48 : memref<128x128xf32, #tpu.memory_space<vmem_shared>>) target_semaphore(%run_scoped3A : memref<!tpu.dma_semaphore, #tpu.memory_space<semaphore_mem>>)
      %dma_wait3A_49 = arith.constant 0 : i32
      %dma_wait3A_50 = tpu.memref_slice %arg12[%add3A_1, %dma_wait3A_49] : memref<10240x128xf32, #tpu.memory_space<vmem_shared>> -> memref<128x128xf32, #tpu.memory_space<vmem_shared>>
      tpu.wait_dma2 semaphore(%run_scoped3A : memref<!tpu.dma_semaphore, #tpu.memory_space<semaphore_mem>>) src(%arg4 : memref<128x128xf32, #tpu.memory_space<hbm>>) dst(%dma_wait3A_50 : memref<128x128xf32, #tpu.memory_space<vmem_shared>>)
      tpu.yield
    }) : () -> ()
    %add3A_2 = arith.constant 128 : i32
    %add3A_3 = arith.addi %mul3A_0, %add3A_2 : i32
    "tpu.region"() ({
      %run_scoped3A = tpu.sem_alloc : memref<!tpu.dma_semaphore, #tpu.memory_space<semaphore_mem>>
      %dma_start3A_47 = arith.constant 0 : i32
      %dma_start3A_48 = tpu.memref_slice %arg12[%add3A_3, %dma_start3A_47] : memref<10240x128xf32, #tpu.memory_space<vmem_shared>> -> memref<128x128xf32, #tpu.memory_space<vmem_shared>>
      tpu.enqueue_dma source(%arg4 : memref<128x128xf32, #tpu.memory_space<hbm>>) target(%dma_start3A_48 : memref<128x128xf32, #tpu.memory_space<vmem_shared>>) target_semaphore(%run_scoped3A : memref<!tpu.dma_semaphore, #tpu.memory_space<semaphore_mem>>)
      %dma_wait3A_49 = arith.constant 0 : i32
      %dma_wait3A_50 = tpu.memref_slice %arg12[%add3A_3, %dma_wait3A_49] : memref<10240x128xf32, #tpu.memory_space<vmem_shared>> -> memref<128x128xf32, #tpu.memory_space<vmem_shared>>
      tpu.wait_dma2 semaphore(%run_scoped3A : memref<!tpu.dma_semaphore, #tpu.memory_space<semaphore_mem>>) src(%arg4 : memref<128x128xf32, #tpu.memory_space<hbm>>) dst(%dma_wait3A_50 : memref<128x128xf32, #tpu.memory_space<vmem_shared>>)
      tpu.yield
    }) : () -> ()
    %add3A_4 = arith.constant 256 : i32
    %add3A_5 = arith.addi %mul3A_0, %add3A_4 : i32
    "tpu.region"() ({
      %run_scoped3A = tpu.sem_alloc : memref<!tpu.dma_semaphore, #tpu.memory_space<semaphore_mem>>
      %dma_start3A_47 = arith.constant 0 : i32
      %dma_start3A_48 = tpu.memref_slice %arg12[%add3A_5, %dma_start3A_47] : memref<10240x128xf32, #tpu.memory_space<vmem_shared>> -> memref<128x128xf32, #tpu.memory_space<vmem_shared>>
      tpu.enqueue_dma source(%arg4 : memref<128x128xf32, #tpu.memory_space<hbm>>) target(%dma_start3A_48 : memref<128x128xf32, #tpu.memory_space<vmem_shared>>) target_semaphore(%run_scoped3A : memref<!tpu.dma_semaphore, #tpu.memory_space<semaphore_mem>>)
      %dma_wait3A_49 = arith.constant 0 : i32
      %dma_wait3A_50 = tpu.memref_slice %arg12[%add3A_5, %dma_wait3A_49] : memref<10240x128xf32, #tpu.memory_space<vmem_shared>> -> memref<128x128xf32, #tpu.memory_space<vmem_shared>>
      tpu.wait_dma2 semaphore(%run_scoped3A : memref<!tpu.dma_semaphore, #tpu.memory_space<semaphore_mem>>) src(%arg4 : memref<128x128xf32, #tpu.memory_space<hbm>>) dst(%dma_wait3A_50 : memref<128x128xf32, #tpu.memory_space<vmem_shared>>)
      tpu.yield
    }) : () -> ()
    %add3A_6 = arith.constant 384 : i32
    %add3A_7 = arith.addi %mul3A_0, %add3A_6 : i32
    "tpu.region"() ({
      %run_scoped3A = tpu.sem_alloc : memref<!tpu.dma_semaphore, #tpu.memory_space<semaphore_mem>>
      %dma_start3A_47 = arith.constant 0 : i32
      %dma_start3A_48 = tpu.memref_slice %arg12[%add3A_7, %dma_start3A_47] : memref<10240x128xf32, #tpu.memory_space<vmem_shared>> -> memref<128x128xf32, #tpu.memory_space<vmem_shared>>
      tpu.enqueue_dma source(%arg4 : memref<128x128xf32, #tpu.memory_space<hbm>>) target(%dma_start3A_48 : memref<128x128xf32, #tpu.memory_space<vmem_shared>>) target_semaphore(%run_scoped3A : memref<!tpu.dma_semaphore, #tpu.memory_space<semaphore_mem>>)
      %dma_wait3A_49 = arith.constant 0 : i32
      %dma_wait3A_50 = tpu.memref_slice %arg12[%add3A_7, %dma_wait3A_49] : memref<10240x128xf32, #tpu.memory_space<vmem_shared>> -> memref<128x128xf32, #tpu.memory_space<vmem_shared>>
      tpu.wait_dma2 semaphore(%run_scoped3A : memref<!tpu.dma_semaphore, #tpu.memory_space<semaphore_mem>>) src(%arg4 : memref<128x128xf32, #tpu.memory_space<hbm>>) dst(%dma_wait3A_50 : memref<128x128xf32, #tpu.memory_space<vmem_shared>>)
      tpu.yield
    }) : () -> ()
    %add3A_8 = arith.constant 512 : i32
    %add3A_9 = arith.addi %mul3A_0, %add3A_8 : i32
    "tpu.region"() ({
      %run_scoped3A = tpu.sem_alloc : memref<!tpu.dma_semaphore, #tpu.memory_space<semaphore_mem>>
      %dma_start3A_47 = arith.constant 0 : i32
      %dma_start3A_48 = tpu.memref_slice %arg12[%add3A_9, %dma_start3A_47] : memref<10240x128xf32, #tpu.memory_space<vmem_shared>> -> memref<128x128xf32, #tpu.memory_space<vmem_shared>>
      tpu.enqueue_dma source(%arg4 : memref<128x128xf32, #tpu.memory_space<hbm>>) target(%dma_start3A_48 : memref<128x128xf32, #tpu.memory_space<vmem_shared>>) target_semaphore(%run_scoped3A : memref<!tpu.dma_semaphore, #tpu.memory_space<semaphore_mem>>)
      %dma_wait3A_49 = arith.constant 0 : i32
      %dma_wait3A_50 = tpu.memref_slice %arg12[%add3A_9, %dma_wait3A_49] : memref<10240x128xf32, #tpu.memory_space<vmem_shared>> -> memref<128x128xf32, #tpu.memory_space<vmem_shared>>
      tpu.wait_dma2 semaphore(%run_scoped3A : memref<!tpu.dma_semaphore, #tpu.memory_space<semaphore_mem>>) src(%arg4 : memref<128x128xf32, #tpu.memory_space<hbm>>) dst(%dma_wait3A_50 : memref<128x128xf32, #tpu.memory_space<vmem_shared>>)
      tpu.yield
    }) : () -> ()
    %barrier3A = arith.constant 0 : index
    tpu.barrier barrier_id(%barrier3A)
    %scan3A = arith.constant 0 : i32
    %scan3A_10 = arith.constant 0 : i32
    %scan3A_11 = arith.constant 156 : i32
    %scan3A_12 = arith.addi %scan3A_10, %scan3A_11 : i32
    %scan3A_13 = arith.constant 1 : i32
    scf.for %scan3A_47 = %scan3A_10 to %scan3A_12 step %scan3A_13  : i32 {
      %mul3A_48 = arith.constant 20000 : i32
      %mul3A_49 = arith.muli %arg1, %mul3A_48 : i32
      %mul3A_50 = arith.constant 128 : i32
      %mul3A_51 = arith.muli %scan3A_47, %mul3A_50 : i32
      %add3A_52 = arith.addi %mul3A_49, %mul3A_51 : i32
      %sub3A_53 = arith.constant 1 : i32
      %sub3A_54 = arith.subi %sub3A_53, %arg0 : i32
      %mul3A_55 = arith.constant 320000 : i32
      %mul3A_56 = arith.muli %sub3A_54, %mul3A_55 : i32
      %add3A_57 = arith.addi %mul3A_56, %add3A_52 : i32
      %dma_start3A_58 = tpu.memref_slice %arg2[%add3A_57] : memref<640000xi32, #tpu.memory_space<hbm>> -> memref<128xi32, #tpu.memory_space<hbm>>
      %dma_start3A_59 = tpu.memref_slice %arg2[%add3A_57] : memref<640000xi32, #tpu.memory_space<hbm>> -> memref<128xi32, #tpu.memory_space<hbm>>
      tpu.enqueue_dma source(%dma_start3A_59 : memref<128xi32, #tpu.memory_space<hbm>>) target(%arg6 : memref<128xi32, #tpu.memory_space<vmem>>) target_semaphore(%arg13 : memref<!tpu.dma_semaphore, #tpu.memory_space<semaphore_mem>>)
      %dma_wait3A_60 = tpu.memref_slice %arg2[%add3A_57] : memref<640000xi32, #tpu.memory_space<hbm>> -> memref<128xi32, #tpu.memory_space<hbm>>
      %dma_wait3A_61 = tpu.memref_slice %arg2[%add3A_57] : memref<640000xi32, #tpu.memory_space<hbm>> -> memref<128xi32, #tpu.memory_space<hbm>>
      tpu.wait_dma2 semaphore(%arg13 : memref<!tpu.dma_semaphore, #tpu.memory_space<semaphore_mem>>) src(%dma_wait3A_61 : memref<128xi32, #tpu.memory_space<hbm>>) dst(%arg6 : memref<128xi32, #tpu.memory_space<vmem>>)
      %mul3A_62 = arith.constant 320000 : i32
      %mul3A_63 = arith.muli %arg0, %mul3A_62 : i32
      %add3A_64 = arith.addi %mul3A_63, %add3A_52 : i32
      %dma_start3A_65 = tpu.memref_slice %arg2[%add3A_64] : memref<640000xi32, #tpu.memory_space<hbm>> -> memref<128xi32, #tpu.memory_space<hbm>>
      %dma_start3A_66 = tpu.memref_slice %arg2[%add3A_64] : memref<640000xi32, #tpu.memory_space<hbm>> -> memref<128xi32, #tpu.memory_space<hbm>>
      tpu.enqueue_dma source(%dma_start3A_66 : memref<128xi32, #tpu.memory_space<hbm>>) target(%arg7 : memref<128xi32, #tpu.memory_space<vmem>>) target_semaphore(%arg13 : memref<!tpu.dma_semaphore, #tpu.memory_space<semaphore_mem>>)
      %dma_wait3A_67 = tpu.memref_slice %arg2[%add3A_64] : memref<640000xi32, #tpu.memory_space<hbm>> -> memref<128xi32, #tpu.memory_space<hbm>>
      %dma_wait3A_68 = tpu.memref_slice %arg2[%add3A_64] : memref<640000xi32, #tpu.memory_space<hbm>> -> memref<128xi32, #tpu.memory_space<hbm>>
      tpu.wait_dma2 semaphore(%arg13 : memref<!tpu.dma_semaphore, #tpu.memory_space<semaphore_mem>>) src(%dma_wait3A_68 : memref<128xi32, #tpu.memory_space<hbm>>) dst(%arg7 : memref<128xi32, #tpu.memory_space<vmem>>)
      %dma_start3A_69 = arith.constant 0 : i32
      %dma_start3A_70 = arith.constant 0 : i32
      %dma_start3A_71 = tpu.memref_slice %arg3[%arg0, %dma_start3A_69, %dma_start3A_70] : memref<2x10000x128xf32, #tpu.memory_space<hbm>> -> memref<1x10000x128xf32, #tpu.memory_space<hbm>>
      %dma_start3A_72 = tpu.memref_squeeze %dma_start3A_71 : memref<1x10000x128xf32, #tpu.memory_space<hbm>> -> memref<10000x128xf32, #tpu.memory_space<hbm>>
      %dma_start3A_73 = arith.constant 0 : i32
      %dma_start3A_74 = arith.constant 0 : i32
      %dma_start3A_75 = tpu.memref_slice %dma_start3A_72[%dma_start3A_73, %dma_start3A_74] : memref<10000x128xf32, #tpu.memory_space<hbm>> -> memref<10000x128xf32, #tpu.memory_space<hbm>>
      tpu.enqueue_indirect_dma source(%dma_start3A_75 : memref<10000x128xf32, #tpu.memory_space<hbm>>) target(%arg10 : memref<128x128xf32, #tpu.memory_space<vmem>>) offsets(%arg6 : memref<128xi32, #tpu.memory_space<vmem>>) semaphore(%arg13 : memref<!tpu.dma_semaphore, #tpu.memory_space<semaphore_mem>>)
      %dma_wait3A_76 = arith.constant 0 : i32
      %dma_wait3A_77 = arith.constant 0 : i32
      %dma_wait3A_78 = tpu.memref_slice %arg3[%arg0, %dma_wait3A_76, %dma_wait3A_77] : memref<2x10000x128xf32, #tpu.memory_space<hbm>> -> memref<1x10000x128xf32, #tpu.memory_space<hbm>>
      %dma_wait3A_79 = tpu.memref_squeeze %dma_wait3A_78 : memref<1x10000x128xf32, #tpu.memory_space<hbm>> -> memref<10000x128xf32, #tpu.memory_space<hbm>>
      %dma_wait3A_80 = arith.constant 0 : i32
      %dma_wait3A_81 = arith.constant 0 : i32
      %dma_wait3A_82 = tpu.memref_slice %dma_wait3A_79[%dma_wait3A_80, %dma_wait3A_81] : memref<10000x128xf32, #tpu.memory_space<hbm>> -> memref<10000x128xf32, #tpu.memory_space<hbm>>
      tpu.wait_indirect_dma semaphore(%arg13 : memref<!tpu.dma_semaphore, #tpu.memory_space<semaphore_mem>>) src(%dma_wait3A_82 : memref<10000x128xf32, #tpu.memory_space<hbm>>) dst(%arg10 : memref<128x128xf32, #tpu.memory_space<vmem>>)
      "tpu.region"() ({
        %run_scoped3A = tpu.sem_alloc : memref<!tpu.dma_semaphore, #tpu.memory_space<semaphore_mem>>
        %dma_start3A_83 = arith.constant 0 : i32
        %dma_start3A_84 = arith.constant 0 : i32
        %dma_start3A_85 = tpu.memref_slice %arg12[%dma_start3A_83, %dma_start3A_84] : memref<10240x128xf32, #tpu.memory_space<vmem_shared>> -> memref<10240x128xf32, #tpu.memory_space<vmem_shared>>
        tpu.enqueue_indirect_dma source(%arg10 : memref<128x128xf32, #tpu.memory_space<vmem>>) target(%dma_start3A_85 : memref<10240x128xf32, #tpu.memory_space<vmem_shared>>) offsets(%arg7 : memref<128xi32, #tpu.memory_space<vmem>>) semaphore(%run_scoped3A : memref<!tpu.dma_semaphore, #tpu.memory_space<semaphore_mem>>) {add = true}
        %dma_wait3A_86 = arith.constant 0 : i32
        %dma_wait3A_87 = arith.constant 0 : i32
        %dma_wait3A_88 = tpu.memref_slice %arg12[%dma_wait3A_86, %dma_wait3A_87] : memref<10240x128xf32, #tpu.memory_space<vmem_shared>> -> memref<10240x128xf32, #tpu.memory_space<vmem_shared>>
        tpu.wait_indirect_dma semaphore(%run_scoped3A : memref<!tpu.dma_semaphore, #tpu.memory_space<semaphore_mem>>) src(%arg10 : memref<128x128xf32, #tpu.memory_space<vmem>>) dst(%dma_wait3A_88 : memref<10240x128xf32, #tpu.memory_space<vmem_shared>>)
        tpu.yield
      }) : () -> ()
    }
    %scan3A_14 = arith.constant 156 : i32
    %mul3A_15 = arith.constant 20000 : i32
    %mul3A_16 = arith.muli %arg1, %mul3A_15 : i32
    %add3A_17 = arith.constant 19968 : i32
    %add3A_18 = arith.addi %mul3A_16, %add3A_17 : i32
    %sub3A = arith.constant 1 : i32
    %sub3A_19 = arith.subi %sub3A, %arg0 : i32
    %mul3A_20 = arith.constant 320000 : i32
    %mul3A_21 = arith.muli %sub3A_19, %mul3A_20 : i32
    %add3A_22 = arith.addi %mul3A_21, %add3A_18 : i32
    %dma_start3A = tpu.memref_slice %arg2[%add3A_22] : memref<640000xi32, #tpu.memory_space<hbm>> -> memref<32xi32, #tpu.memory_space<hbm>>
    %dma_start3A_23 = tpu.memref_slice %arg2[%add3A_22] : memref<640000xi32, #tpu.memory_space<hbm>> -> memref<32xi32, #tpu.memory_space<hbm>>
    tpu.enqueue_dma source(%dma_start3A_23 : memref<32xi32, #tpu.memory_space<hbm>>) target(%arg8 : memref<32xi32, #tpu.memory_space<vmem>>) target_semaphore(%arg13 : memref<!tpu.dma_semaphore, #tpu.memory_space<semaphore_mem>>)
    %dma_wait3A = tpu.memref_slice %arg2[%add3A_22] : memref<640000xi32, #tpu.memory_space<hbm>> -> memref<32xi32, #tpu.memory_space<hbm>>
    %dma_wait3A_24 = tpu.memref_slice %arg2[%add3A_22] : memref<640000xi32, #tpu.memory_space<hbm>> -> memref<32xi32, #tpu.memory_space<hbm>>
    tpu.wait_dma2 semaphore(%arg13 : memref<!tpu.dma_semaphore, #tpu.memory_space<semaphore_mem>>) src(%dma_wait3A_24 : memref<32xi32, #tpu.memory_space<hbm>>) dst(%arg8 : memref<32xi32, #tpu.memory_space<vmem>>)
    %mul3A_25 = arith.constant 320000 : i32
    %mul3A_26 = arith.muli %arg0, %mul3A_25 : i32
    %add3A_27 = arith.addi %mul3A_26, %add3A_18 : i32
    %dma_start3A_28 = tpu.memref_slice %arg2[%add3A_27] : memref<640000xi32, #tpu.memory_space<hbm>> -> memref<32xi32, #tpu.memory_space<hbm>>
    %dma_start3A_29 = tpu.memref_slice %arg2[%add3A_27] : memref<640000xi32, #tpu.memory_space<hbm>> -> memref<32xi32, #tpu.memory_space<hbm>>
    tpu.enqueue_dma source(%dma_start3A_29 : memref<32xi32, #tpu.memory_space<hbm>>) target(%arg9 : memref<32xi32, #tpu.memory_space<vmem>>) target_semaphore(%arg13 : memref<!tpu.dma_semaphore, #tpu.memory_space<semaphore_mem>>)
    %dma_wait3A_30 = tpu.memref_slice %arg2[%add3A_27] : memref<640000xi32, #tpu.memory_space<hbm>> -> memref<32xi32, #tpu.memory_space<hbm>>
    %dma_wait3A_31 = tpu.memref_slice %arg2[%add3A_27] : memref<640000xi32, #tpu.memory_space<hbm>> -> memref<32xi32, #tpu.memory_space<hbm>>
    tpu.wait_dma2 semaphore(%arg13 : memref<!tpu.dma_semaphore, #tpu.memory_space<semaphore_mem>>) src(%dma_wait3A_31 : memref<32xi32, #tpu.memory_space<hbm>>) dst(%arg9 : memref<32xi32, #tpu.memory_space<vmem>>)
    %dma_start3A_32 = arith.constant 0 : i32
    %dma_start3A_33 = arith.constant 0 : i32
    %dma_start3A_34 = tpu.memref_slice %arg3[%arg0, %dma_start3A_32, %dma_start3A_33] : memref<2x10000x128xf32, #tpu.memory_space<hbm>> -> memref<1x10000x128xf32, #tpu.memory_space<hbm>>
    %dma_start3A_35 = tpu.memref_squeeze %dma_start3A_34 : memref<1x10000x128xf32, #tpu.memory_space<hbm>> -> memref<10000x128xf32, #tpu.memory_space<hbm>>
    %dma_start3A_36 = arith.constant 0 : i32
    %dma_start3A_37 = arith.constant 0 : i32
    %dma_start3A_38 = tpu.memref_slice %dma_start3A_35[%dma_start3A_36, %dma_start3A_37] : memref<10000x128xf32, #tpu.memory_space<hbm>> -> memref<10000x128xf32, #tpu.memory_space<hbm>>
    tpu.enqueue_indirect_dma source(%dma_start3A_38 : memref<10000x128xf32, #tpu.memory_space<hbm>>) target(%arg11 : memref<32x128xf32, #tpu.memory_space<vmem>>) offsets(%arg8 : memref<32xi32, #tpu.memory_space<vmem>>) semaphore(%arg13 : memref<!tpu.dma_semaphore, #tpu.memory_space<semaphore_mem>>)
    %dma_wait3A_39 = arith.constant 0 : i32
    %dma_wait3A_40 = arith.constant 0 : i32
    %dma_wait3A_41 = tpu.memref_slice %arg3[%arg0, %dma_wait3A_39, %dma_wait3A_40] : memref<2x10000x128xf32, #tpu.memory_space<hbm>> -> memref<1x10000x128xf32, #tpu.memory_space<hbm>>
    %dma_wait3A_42 = tpu.memref_squeeze %dma_wait3A_41 : memref<1x10000x128xf32, #tpu.memory_space<hbm>> -> memref<10000x128xf32, #tpu.memory_space<hbm>>
    %dma_wait3A_43 = arith.constant 0 : i32
    %dma_wait3A_44 = arith.constant 0 : i32
    %dma_wait3A_45 = tpu.memref_slice %dma_wait3A_42[%dma_wait3A_43, %dma_wait3A_44] : memref<10000x128xf32, #tpu.memory_space<hbm>> -> memref<10000x128xf32, #tpu.memory_space<hbm>>
    tpu.wait_indirect_dma semaphore(%arg13 : memref<!tpu.dma_semaphore, #tpu.memory_space<semaphore_mem>>) src(%dma_wait3A_45 : memref<10000x128xf32, #tpu.memory_space<hbm>>) dst(%arg11 : memref<32x128xf32, #tpu.memory_space<vmem>>)
    "tpu.region"() ({
      %run_scoped3A = tpu.sem_alloc : memref<!tpu.dma_semaphore, #tpu.memory_space<semaphore_mem>>
      %dma_start3A_47 = arith.constant 0 : i32
      %dma_start3A_48 = arith.constant 0 : i32
      %dma_start3A_49 = tpu.memref_slice %arg12[%dma_start3A_47, %dma_start3A_48] : memref<10240x128xf32, #tpu.memory_space<vmem_shared>> -> memref<10240x128xf32, #tpu.memory_space<vmem_shared>>
      tpu.enqueue_indirect_dma source(%arg11 : memref<32x128xf32, #tpu.memory_space<vmem>>) target(%dma_start3A_49 : memref<10240x128xf32, #tpu.memory_space<vmem_shared>>) offsets(%arg9 : memref<32xi32, #tpu.memory_space<vmem>>) semaphore(%run_scoped3A : memref<!tpu.dma_semaphore, #tpu.memory_space<semaphore_mem>>) {add = true}
      %dma_wait3A_50 = arith.constant 0 : i32
      %dma_wait3A_51 = arith.constant 0 : i32
      %dma_wait3A_52 = tpu.memref_slice %arg12[%dma_wait3A_50, %dma_wait3A_51] : memref<10240x128xf32, #tpu.memory_space<vmem_shared>> -> memref<10240x128xf32, #tpu.memory_space<vmem_shared>>
      tpu.wait_indirect_dma semaphore(%run_scoped3A : memref<!tpu.dma_semaphore, #tpu.memory_space<semaphore_mem>>) src(%arg11 : memref<32x128xf32, #tpu.memory_space<vmem>>) dst(%dma_wait3A_52 : memref<10240x128xf32, #tpu.memory_space<vmem_shared>>)
      tpu.yield
    }) : () -> ()
    %barrier3A_46 = arith.constant 0 : index
    tpu.barrier barrier_id(%barrier3A_46)
    "tpu.region"() ({
      %run_scoped3A = tpu.sem_alloc : memref<!tpu.dma_semaphore, #tpu.memory_space<semaphore_mem>>
      %dma_start3A_47 = arith.constant 0 : i32
      %dma_start3A_48 = tpu.memref_slice %arg5[%arg0, %mul3A_0, %dma_start3A_47] : memref<2x10240x128xf32, #tpu.memory_space<hbm>> -> memref<1x640x128xf32, #tpu.memory_space<hbm>>
      %dma_start3A_49 = tpu.memref_squeeze %dma_start3A_48 : memref<1x640x128xf32, #tpu.memory_space<hbm>> -> memref<640x128xf32, #tpu.memory_space<hbm>>
      %dma_start3A_50 = arith.constant 0 : i32
      %dma_start3A_51 = tpu.memref_slice %arg12[%mul3A_0, %dma_start3A_50] : memref<10240x128xf32, #tpu.memory_space<vmem_shared>> -> memref<640x128xf32, #tpu.memory_space<vmem_shared>>
      tpu.enqueue_dma source(%dma_start3A_51 : memref<640x128xf32, #tpu.memory_space<vmem_shared>>) target(%dma_start3A_49 : memref<640x128xf32, #tpu.memory_space<hbm>>) target_semaphore(%run_scoped3A : memref<!tpu.dma_semaphore, #tpu.memory_space<semaphore_mem>>)
      %dma_wait3A_52 = arith.constant 0 : i32
      %dma_wait3A_53 = tpu.memref_slice %arg5[%arg0, %mul3A_0, %dma_wait3A_52] : memref<2x10240x128xf32, #tpu.memory_space<hbm>> -> memref<1x640x128xf32, #tpu.memory_space<hbm>>
      %dma_wait3A_54 = tpu.memref_squeeze %dma_wait3A_53 : memref<1x640x128xf32, #tpu.memory_space<hbm>> -> memref<640x128xf32, #tpu.memory_space<hbm>>
      %dma_wait3A_55 = arith.constant 0 : i32
      %dma_wait3A_56 = tpu.memref_slice %arg12[%mul3A_0, %dma_wait3A_55] : memref<10240x128xf32, #tpu.memory_space<vmem_shared>> -> memref<640x128xf32, #tpu.memory_space<vmem_shared>>
      tpu.wait_dma2 semaphore(%run_scoped3A : memref<!tpu.dma_semaphore, #tpu.memory_space<semaphore_mem>>) src(%dma_wait3A_56 : memref<640x128xf32, #tpu.memory_space<vmem_shared>>) dst(%dma_wait3A_54 : memref<640x128xf32, #tpu.memory_space<hbm>>)
      tpu.yield
    }) : () -> ()
    return
  }
}

module attributes {stable_mosaic.version = 14 : i64} {
  func.func @_scale_matmul_body(%arg0: i32, %arg1: i32, %arg2: memref<1000x128xf32, #tpu.memory_space<vmem>>, %arg3: memref<1x128x128xf32, #tpu.memory_space<vmem>>, %arg4: memref<1x1000x128xf32, #tpu.memory_space<vmem>>, %arg5: memref<1x1000x128xf32, #tpu.memory_space<vmem>>) attributes {dimension_semantics = [#tpu.dimension_semantics<arbitrary>, #tpu.dimension_semantics<arbitrary>], iteration_bounds = array<i64: 2, 10>, scalar_prefetch = 0 : i64, scratch_operands = 0 : i64, tpu.core_type = #tpu.core_type<tc>, window_params = [{transform_indices = @transform_0, window_bounds = array<i64: 1000, 128>}, {transform_indices = @transform_1, window_bounds = array<i64: 1, 128, 128>}, {transform_indices = @transform_2, window_bounds = array<i64: 1, 1000, 128>}, {transform_indices = @transform_3, window_bounds = array<i64: 1, 1000, 128>}]} {
    %get3A = arith.constant 0 : index
    %get3A_0 = arith.constant 0 : index
    %get3A_1 = vector.load %arg2[%get3A, %get3A_0] : memref<1000x128xf32, #tpu.memory_space<vmem>>, vector<1000x128xf32>
    %get3A_2 = arith.constant 0 : index
    %get3A_3 = arith.constant 0 : index
    %get3A_4 = arith.constant 0 : index
    %get3A_5 = vector.load %arg3[%get3A_2, %get3A_3, %get3A_4] : memref<1x128x128xf32, #tpu.memory_space<vmem>>, vector<1x128x128xf32>
    %get3A_6 = vector.shape_cast %get3A_5 : vector<1x128x128xf32> to vector<128x128xf32>
    %transpose3A = tpu.transpose %get3A_6, [1, 0] : vector<128x128xf32> -> vector<128x128xf32>
    %dot_general3A = arith.constant dense<0.000000e+00> : vector<1000x128xf32>
    %dot_general3A_7 = tpu.matmul %get3A_1, %transpose3A, %dot_general3A {dimension_numbers = #tpu.dot_dimension_numbers<[1], [0], [0], [1], [0, 0, 1, 1], [], []>, transpose_lhs_hint = false} : vector<1000x128xf32>, vector<128x128xf32>, vector<1000x128xf32> -> vector<1000x128xf32>
    %get3A_8 = arith.constant 0 : index
    %get3A_9 = arith.constant 0 : index
    %get3A_10 = arith.constant 0 : index
    %get3A_11 = vector.load %arg4[%get3A_8, %get3A_9, %get3A_10] : memref<1x1000x128xf32, #tpu.memory_space<vmem>>, vector<1x1000x1xf32>
    %get3A_12 = vector.shape_cast %get3A_11 : vector<1x1000x1xf32> to vector<1000x1xf32>
    %gt3A = arith.constant 0.000000e+00 : f32
    %gt3A_13 = vector.broadcast %gt3A : f32 to vector<1000x1xf32>
    %gt3A_14 = arith.cmpf ogt, %get3A_12, %gt3A_13 : vector<1000x1xf32>
    %rsqrt3A = math.rsqrt %get3A_12 : vector<1000x1xf32>
    %jit3A = arith.constant 0.000000e+00 : f32
    %broadcast_in_dim3A = vector.broadcast %jit3A : f32 to vector<1000x1xf32>
    %select_n3A = arith.select %gt3A_14, %rsqrt3A, %broadcast_in_dim3A : vector<1000x1xi1>, vector<1000x1xf32>
    %eq3A = arith.constant 0 : i32
    %eq3A_15 = arith.cmpi eq, %arg0, %eq3A : i32
    %jit3A_16 = arith.constant 5.000000e-01 : f32
    %jit3A_17 = arith.constant 5.000000e-01 : f32
    %select_n3A_18 = arith.select %eq3A_15, %jit3A_16, %jit3A_17 : f32
    %mul3A = vector.broadcast %select_n3A_18 : f32 to vector<1000x1xf32>
    %mul3A_19 = arith.mulf %mul3A, %select_n3A : vector<1000x1xf32>
    %mul3A_20 = vector.broadcast %mul3A_19 : vector<1000x1xf32> to vector<1000x128xf32>
    %mul3A_21 = arith.mulf %mul3A_20, %dot_general3A_7 : vector<1000x128xf32>
    %swap3A = arith.constant 0 : index
    %swap3A_22 = arith.constant 0 : index
    %swap3A_23 = arith.constant 0 : index
    %swap3A_24 = vector.load %arg5[%swap3A, %swap3A_22, %swap3A_23] : memref<1x1000x128xf32, #tpu.memory_space<vmem>>, vector<1x1000x128xf32>
    %swap3A_25 = vector.shape_cast %swap3A_24 : vector<1x1000x128xf32> to vector<1000x128xf32>
    %swap3A_26 = vector.shape_cast %mul3A_21 : vector<1000x128xf32> to vector<1x1000x128xf32>
    tpu.vector_store %arg5[%swap3A, %swap3A_22, %swap3A_23], %swap3A_26 {strides = array<i32>} : memref<1x1000x128xf32, #tpu.memory_space<vmem>>, vector<1x1000x128xf32>,
    return
  }
  func.func @transform_0(%arg0: i32, %arg1: i32) -> (i32, i32) {
    %c0_i32 = arith.constant 0 : i32
    %c0_i32_0 = arith.constant 0 : i32
    return %arg1, %c0_i32 : i32, i32
  }
  func.func @transform_1(%arg0: i32, %arg1: i32) -> (i32, i32, i32) {
    %c0_i32 = arith.constant 0 : i32
    %c0_i32_0 = arith.constant 0 : i32
    %c0_i32_1 = arith.constant 0 : i32
    return %arg0, %c0_i32, %c0_i32_0 : i32, i32, i32
  }
  func.func @transform_2(%arg0: i32, %arg1: i32) -> (i32, i32, i32) {
    %sub3A = arith.constant 1 : i32
    %sub3A_0 = arith.subi %sub3A, %arg0 : i32
    %c0_i32 = arith.constant 0 : i32
    %c0_i32_1 = arith.constant 0 : i32
    return %sub3A_0, %arg1, %c0_i32 : i32, i32, i32
  }
  func.func @transform_3(%arg0: i32, %arg1: i32) -> (i32, i32, i32) {
    %c0_i32 = arith.constant 0 : i32
    %c0_i32_0 = arith.constant 0 : i32
    return %arg0, %arg1, %c0_i32 : i32, i32, i32
  }
}

module attributes {stable_mosaic.version = 14 : i64} {
  func.func @_combine_body(%arg0: i32, %arg1: memref<2x1000x128xf32, #tpu.memory_space<vmem>>, %arg2: memref<2x1000x128xf32, #tpu.memory_space<vmem>>, %arg3: memref<1x128xf32, #tpu.memory_space<vmem>>, %arg4: memref<1x128xf32, #tpu.memory_space<vmem>>, %arg5: memref<1000x128xf32, #tpu.memory_space<vmem>>) attributes {dimension_semantics = [#tpu.dimension_semantics<arbitrary>], iteration_bounds = array<i64: 10>, scalar_prefetch = 0 : i64, scratch_operands = 0 : i64, tpu.core_type = #tpu.core_type<tc>, window_params = [{transform_indices = @transform_0, window_bounds = array<i64: 2, 1000, 128>}, {transform_indices = @transform_1, window_bounds = array<i64: 2, 1000, 128>}, {pipeline_mode = #tpu.pipeline_mode<synchronous>, transform_indices = @transform_2, window_bounds = array<i64: 1, 128>}, {pipeline_mode = #tpu.pipeline_mode<synchronous>, transform_indices = @transform_3, window_bounds = array<i64: 1, 128>}, {transform_indices = @transform_4, window_bounds = array<i64: 1000, 128>}]} {
    %get3A = arith.constant 0 : index
    %get3A_0 = arith.constant 0 : index
    %get3A_1 = arith.constant 0 : index
    %get3A_2 = vector.load %arg2[%get3A, %get3A_0, %get3A_1] : memref<2x1000x128xf32, #tpu.memory_space<vmem>>, vector<1x1000x1xf32>
    %get3A_3 = vector.shape_cast %get3A_2 : vector<1x1000x1xf32> to vector<1000x1xf32>
    %get3A_4 = arith.constant 1 : index
    %get3A_5 = arith.constant 0 : index
    %get3A_6 = arith.constant 0 : index
    %get3A_7 = vector.load %arg2[%get3A_4, %get3A_5, %get3A_6] : memref<2x1000x128xf32, #tpu.memory_space<vmem>>, vector<1x1000x1xf32>
    %get3A_8 = vector.shape_cast %get3A_7 : vector<1x1000x1xf32> to vector<1000x1xf32>
    %gt3A = arith.constant 0.000000e+00 : f32
    %gt3A_9 = vector.broadcast %gt3A : f32 to vector<1000x1xf32>
    %gt3A_10 = arith.cmpf ogt, %get3A_3, %gt3A_9 : vector<1000x1xf32>
    %rsqrt3A = math.rsqrt %get3A_3 : vector<1000x1xf32>
    %jit3A = arith.constant 0.000000e+00 : f32
    %broadcast_in_dim3A = vector.broadcast %jit3A : f32 to vector<1000x1xf32>
    %select_n3A = arith.select %gt3A_10, %rsqrt3A, %broadcast_in_dim3A : vector<1000x1xi1>, vector<1000x1xf32>
    %gt3A_11 = arith.constant 0.000000e+00 : f32
    %gt3A_12 = vector.broadcast %gt3A_11 : f32 to vector<1000x1xf32>
    %gt3A_13 = arith.cmpf ogt, %get3A_8, %gt3A_12 : vector<1000x1xf32>
    %rsqrt3A_14 = math.rsqrt %get3A_8 : vector<1000x1xf32>
    %jit3A_15 = arith.constant 0.000000e+00 : f32
    %broadcast_in_dim3A_16 = vector.broadcast %jit3A_15 : f32 to vector<1000x1xf32>
    %select_n3A_17 = arith.select %gt3A_13, %rsqrt3A_14, %broadcast_in_dim3A_16 : vector<1000x1xi1>, vector<1000x1xf32>
    %get3A_18 = arith.constant 0 : index
    %get3A_19 = arith.constant 0 : index
    %get3A_20 = vector.load %arg3[%get3A_18, %get3A_19] : memref<1x128xf32, #tpu.memory_space<vmem>>, vector<1x128xf32>
    %get3A_21 = vector.shape_cast %get3A_20 : vector<1x128xf32> to vector<128xf32>
    %mul3A = arith.constant 5.000000e-01 : f32
    %mul3A_22 = vector.broadcast %mul3A : f32 to vector<128xf32>
    %mul3A_23 = arith.mulf %mul3A_22, %get3A_21 : vector<128xf32>
    %get3A_24 = arith.constant 0 : index
    %get3A_25 = arith.constant 0 : index
    %get3A_26 = vector.load %arg4[%get3A_24, %get3A_25] : memref<1x128xf32, #tpu.memory_space<vmem>>, vector<1x128xf32>
    %get3A_27 = vector.shape_cast %get3A_26 : vector<1x128xf32> to vector<128xf32>
    %mul3A_28 = arith.constant 5.000000e-01 : f32
    %mul3A_29 = vector.broadcast %mul3A_28 : f32 to vector<128xf32>
    %mul3A_30 = arith.mulf %mul3A_29, %get3A_27 : vector<128xf32>
    %add3A = arith.addf %mul3A_23, %mul3A_30 : vector<128xf32>
    %get3A_31 = arith.constant 0 : index
    %get3A_32 = arith.constant 0 : index
    %get3A_33 = arith.constant 0 : index
    %get3A_34 = vector.load %arg1[%get3A_31, %get3A_32, %get3A_33] : memref<2x1000x128xf32, #tpu.memory_space<vmem>>, vector<1x1000x128xf32>
    %get3A_35 = vector.shape_cast %get3A_34 : vector<1x1000x128xf32> to vector<1000x128xf32>
    %mul3A_36 = vector.broadcast %select_n3A : vector<1000x1xf32> to vector<1000x128xf32>
    %mul3A_37 = arith.mulf %mul3A_36, %get3A_35 : vector<1000x128xf32>
    %get3A_38 = arith.constant 1 : index
    %get3A_39 = arith.constant 0 : index
    %get3A_40 = arith.constant 0 : index
    %get3A_41 = vector.load %arg1[%get3A_38, %get3A_39, %get3A_40] : memref<2x1000x128xf32, #tpu.memory_space<vmem>>, vector<1x1000x128xf32>
    %get3A_42 = vector.shape_cast %get3A_41 : vector<1x1000x128xf32> to vector<1000x128xf32>
    %mul3A_43 = vector.broadcast %select_n3A_17 : vector<1000x1xf32> to vector<1000x128xf32>
    %mul3A_44 = arith.mulf %mul3A_43, %get3A_42 : vector<1000x128xf32>
    %add3A_45 = arith.addf %mul3A_37, %mul3A_44 : vector<1000x128xf32>
    %broadcast_in_dim3A_46 = vector.shape_cast %add3A : vector<128xf32> to vector<1x128xf32>
    %add3A_47 = vector.broadcast %broadcast_in_dim3A_46 : vector<1x128xf32> to vector<1000x128xf32>
    %add3A_48 = arith.addf %add3A_45, %add3A_47 : vector<1000x128xf32>
    %swap3A = arith.constant 0 : index
    %swap3A_49 = arith.constant 0 : index
    %swap3A_50 = vector.load %arg5[%swap3A, %swap3A_49] : memref<1000x128xf32, #tpu.memory_space<vmem>>, vector<1000x128xf32>
    tpu.vector_store %arg5[%swap3A, %swap3A_49], %add3A_48 {strides = array<i32>} : memref<1000x128xf32, #tpu.memory_space<vmem>>, vector<1000x128xf32>,
    return
  }
  func.func @transform_0(%arg0: i32) -> (i32, i32, i32) {
    %c0_i32 = arith.constant 0 : i32
    %c0_i32_0 = arith.constant 0 : i32
    %c0_i32_1 = arith.constant 0 : i32
    return %c0_i32, %arg0, %c0_i32_0 : i32, i32, i32
  }
  func.func @transform_1(%arg0: i32) -> (i32, i32, i32) {
    %c0_i32 = arith.constant 0 : i32
    %c0_i32_0 = arith.constant 0 : i32
    %c0_i32_1 = arith.constant 0 : i32
    return %c0_i32, %arg0, %c0_i32_0 : i32, i32, i32
  }
  func.func @transform_2(%arg0: i32) -> (i32, i32) {
    %c0_i32 = arith.constant 0 : i32
    %c0_i32_0 = arith.constant 0 : i32
    %c0_i32_1 = arith.constant 0 : i32
    return %c0_i32, %c0_i32_0 : i32, i32
  }
  func.func @transform_3(%arg0: i32) -> (i32, i32) {
    %c0_i32 = arith.constant 0 : i32
    %c0_i32_0 = arith.constant 0 : i32
    %c0_i32_1 = arith.constant 0 : i32
    return %c0_i32, %c0_i32_0 : i32, i32
  }
  func.func @transform_4(%arg0: i32) -> (i32, i32) {
    %c0_i32 = arith.constant 0 : i32
    %c0_i32_0 = arith.constant 0 : i32
    return %arg0, %c0_i32 : i32, i32
  }
}

</mosaic_0001>

<sc_bundles>
// kernel: kernel.6.cloned.1.call-start
scs
__scs_entry_jumppad:
0x0: {  	(pc) =	sbr.rel $0x88, $3  }
0x1: {  	(tag) =	ssettag $0x0;
	lr =	simm.s32 $0x1  }
0x2: {  	[smem:$0x3F9B] =	sst lr;
	_ =	strace $0xD0000000  }
0x3: {  	_ = 	snop  }
0x4: {  	_ = 	snop  }
0x5: {  	_ = 	snop  }
0x6: {  	_ = 	snop  }
0x7: {  	_ = 	snop  }
__scs_overlays_trampoline_lowered:
0x8: {  	[smem:$0x3FAA] =	sst s0  }
0x9: {  	[smem:$0x3FAB] =	sst s1  }
0xa: {  	[smem:$0x3FAC] =	sst s2  }
0xb: {  	[smem:$0x3FAD] =	sst s3  }
0xc: {  	[smem:$0x3FAE] =	sst s4  }
0xd: {  	[smem:$0x3FAF] =	sst s5  }
0xe: {  	[smem:$0x3FB0] =	sst s6  }
0xf: {  	[smem:$0x3FB1] =	sst s7  }
0x10: {  	[smem:$0x3FB2] =	sst s8  }
0x11: {  	[smem:$0x3FB3] =	sst s9;
	s0 =	simm.s32 @!p0 $0x0  }
0x12: {  	s1 =	sld [smem:$0x3F99];
	s0 =	simm.s32 @p0 $0x1  }
0x13: {  	[smem:$0x3FB4] =	sst s0;
	s0 =	simm.s32 @!p1 $0x0  }
0x14: {  	s2 =	sld [smem:$0x3F98];
	s0 =	simm.s32 @p1 $0x1  }
0x15: {  	[smem:$0x3FB5] =	sst s0;
	s0 =	simm.s32 @!p2 $0x0  }
0x16: {  	s3 =	sld [smem:$0x3FDB];
	s0 =	simm.s32 @p2 $0x1  }
0x17: {  	s4 =	simm.s32 $0x1BF5;
	[smem:$0x3FB7] =	sst s0  }
0x18: {  	s0 =	sld [smem:$0x3F9A];
	_ =	swait.ge [sflag:s4], $0x0  }
0x19: {  	s7 =	sld [smem:$0x3F9B]  }
0x1a: {  	s8 =	sadd.s32 $0xFFFFE003, lr  }
0x1b: {  	s9 =	sadd.s32 $0xFFFFFEF7, lr;
	s5 =	simm.s32 $0xFFFFFFFF;
	p2 =	slt.u32 s8, $0xFFFFF086  }
0x1c: {  	p1 =	slt.u32 s9, $0xF7A;
	s5 =	simm.s32 @!p2 $0x0  }
0x1d: {  	s5 =	simm.s32 @p1 $0x1;
	p0 =	seq.s32 s7, s2  }
0x1e: {  	s7 =	smul.u32 @!p0 $0xF7A, s2;
	p2 =	seq.s32 @!p0 s5, $0x0  }
0x1f: {  	s9 =	smul.u32 $0xF7A, s1;
	s8 =	simm.s32 @!p0 $0x1BF5;
	p2 =	por !p2, p0  }
0x20: {  	[sflag:s8] =	ssyncset.s32 @!p0 $0xFFFFF086;
	s6 =	sadd.s32 @!p0 s3, s7;
	s7 =	simm.s32 @!p0 $0x108  }
0x21: {  	s3 =	sadd.s32 s3, s9;
	s6 =	sadd.s32 @!p0 $0x88, s6;
	s7 =	simm.s32 @p2 $0x1082  }
0x22: {  	[simem:s7], [sflag:s8] =	dma.local @!p0 [hbm:s6], $0xF7A  }
0x23: {  	s9 =	sor.u32 $0xD0000000, s2;
	s6 =	simm.s32 $0x108;
	_ =	swait.ge @!p0 [sflag:s8], $0x0  }
0x24: {  	s3 =	sadd.s32 $0x88, s3;
	s6 =	simm.s32 @!p1 $0x1082;
	[sflag:s4] =	ssyncset.s32 $0xFFFFF086  }
0x25: {  	[simem:s6], [sflag:s4] =	dma.local [hbm:s3], $0xF7A  }
0x26: {  	[smem:$0x3F9B] =	sst s1;
	(tag) =	ssettag s2;
	_ =	strace s9  }
0x27: {  	s1 =	sld [smem:$0x3FAB]  }
0x28: {  	s2 =	sld [smem:$0x3FAC]  }
0x29: {  	s4 =	sld [smem:$0x3FAE]  }
0x2a: {  	p0 =	seq.s32 s5, $0x0;
	s5 =	sld [smem:$0x3FAF]  }
0x2b: {  	s6 =	sld [smem:$0x3FB0]  }
0x2c: {  	s7 =	sld [smem:$0x3FB1]  }
0x2d: {  	s3 =	simm.s32 $0x108;
	s8 =	sld [smem:$0x3FB2]  }
0x2e: {  	s3 =	simm.s32 @!p0 $0x1082;
	s9 =	sld [smem:$0x3FB3]  }
0x2f: {  	lr =	sadd.s32 s0, s3;
	s0 =	sld [smem:$0x3FAA]  }
0x30: {  	s3 =	sld [smem:$0x3FAD]  }
0x31: {  	[smem:$0x3FB6] =	sst s10  }
0x32: {  	s10 =	sld [smem:$0x3FB4];
	_ =	sdelay $0x3  }
0x33: {  	p0 =	seq.s32 s10, $0x1;
	s10 =	sld [smem:$0x3FB6];
	_ =	sdelay $0x3  }
0x34: {  	[smem:$0x3FB6] =	sst s10  }
0x35: {  	s10 =	sld [smem:$0x3FB5];
	_ =	sdelay $0x3  }
0x36: {  	p1 =	seq.s32 s10, $0x1;
	s10 =	sld [smem:$0x3FB6];
	_ =	sdelay $0x3  }
0x37: {  	[smem:$0x3FB6] =	sst s10  }
0x38: {  	s10 =	sld [smem:$0x3FB7]  }
0x39: {  	_ = 	snop;
	(pc) =	sbr.ind lr, $3  }
0x3a: {  	_ = 	snop  }
0x3b: {  	_ = 	snop  }
0x3c: {  	p2 =	seq.s32 s10, $0x1;
	s10 =	sld [smem:$0x3FB6]  }
0x3d: {  	_ =	shalt  }
0x3e: {  	_ =	shalt  }
0x3f: {  	_ =	shalt  }
0x40: {  	_ =	shalt  }
0x41: {  	_ =	shalt  }
0x42: {  	_ =	shalt  }
0x43: {  	_ =	shalt  }
0x44: {  	_ =	shalt  }
0x45: {  	_ =	shalt  }
0x46: {  	_ =	shalt  }
0x47: {  	_ =	shalt  }
0x48: {  	_ =	shalt  }
0x49: {  	_ =	shalt  }
0x4a: {  	_ =	shalt  }
0x4b: {  	_ =	shalt  }
0x4c: {  	_ =	shalt  }
0x4d: {  	_ =	shalt  }
0x4e: {  	_ =	shalt  }
0x4f: {  	_ =	shalt  }
0x50: {  	_ =	shalt  }
0x51: {  	_ =	shalt  }
0x52: {  	_ =	shalt  }
0x53: {  	_ =	shalt  }
0x54: {  	_ =	shalt  }
0x55: {  	_ =	shalt  }
0x56: {  	_ =	shalt  }
0x57: {  	_ =	shalt  }
0x58: {  	_ =	shalt  }
0x59: {  	_ =	shalt  }
0x5a: {  	_ =	shalt  }
0x5b: {  	_ =	shalt  }
0x5c: {  	_ =	shalt  }
0x5d: {  	_ =	shalt  }
0x5e: {  	_ =	shalt  }
0x5f: {  	_ =	shalt  }
0x60: {  	_ =	shalt  }
0x61: {  	_ =	shalt  }
0x62: {  	_ =	shalt  }
0x63: {  	_ =	shalt  }
0x64: {  	_ =	shalt  }
0x65: {  	_ =	shalt  }
0x66: {  	_ =	shalt  }
0x67: {  	_ =	shalt  }
0x68: {  	_ =	shalt  }
0x69: {  	_ =	shalt  }
0x6a: {  	_ =	shalt  }
0x6b: {  	_ =	shalt  }
0x6c: {  	_ =	shalt  }
0x6d: {  	_ =	shalt  }
0x6e: {  	_ =	shalt  }
0x6f: {  	_ =	shalt  }
0x70: {  	_ =	shalt  }
0x71: {  	_ =	shalt  }
0x72: {  	_ =	shalt  }
0x73: {  	_ =	shalt  }
0x74: {  	_ =	shalt  }
0x75: {  	_ =	shalt  }
0x76: {  	_ =	shalt  }
0x77: {  	_ =	shalt  }
0x78: {  	_ =	shalt  }
0x79: {  	_ =	shalt  }
0x7a: {  	_ =	shalt  }
0x7b: {  	_ =	shalt  }
0x7c: {  	_ =	shalt  }
0x7d: {  	_ =	shalt  }
0x7e: {  	_ =	shalt  }
0x7f: {  	_ =	shalt  }
0x80: {  	_ =	shalt  }
0x81: {  	_ =	shalt  }
0x82: {  	_ =	shalt  }
0x83: {  	_ =	shalt  }
0x84: {  	_ =	shalt  }
0x85: {  	_ =	shalt  }
0x86: {  	_ =	shalt  }
0x87: {  	_ =	shalt  }
.Lfunc_end0:
.L_simem_size_0:
called_computation_lowered:
.L_overlay_start_0:
0x88: {  	s2 =	sld [smem:$0x3FD9]  }
0x89: {  	s3 =	sld [smem:$0x3FFE];
	_ =	sdelay $0x1  }
0x8a: {  	s1 =	srdreg.scid  }
0x8b: {  	s0 =	sand.u32 $0x1, s1  }
0x8c: {  	s17 =	sshll.u32 s0, $0xA;
	s2 =	sadd.s32 s3, s2  }
0x8d: {  	s2 =	sadd.s32 s2, s17  }
0x8e: {  	[smem:$0x3FC2] =	sst s2  }
0x8f: {  	_ = 	snop  }
0x90: {  	s2 =	sld [smem:$0x3FD0];
	(tm) =	ssettm $0x1  }
0x91: {  	s18 =	sld [smem:$0x3FFB];
	_ =	sdelay $0x3  }
0x92: {  	_ =	strace s18  }
0x93: {  	s3 =	sld [smem:$0x3FFC];
	_ =	sdelay $0x3  }
0x94: {  	_ =	strace s3  }
0x95: {  	s3 =	sld [smem:$0x3FFD];
	_ =	sdelay $0x3  }
0x96: {  	_ =	strace s3  }
0x97: {  	_ =	strace $0x8FFFFFFF  }
0x98: {  	s19 =	sld [smem:$0x3FDB];
	_ =	sdelay $0x1  }
0x99: {  	s4 =	simm.s32 $_scs_section_size  }
0x9a: {  	s5 =	simm.s32 $_size__tile_overlayer_lowered;
	s6 =	simm.s32 $_tile_overlayer_lowered  }
0x9b: {  	s22 =	simm.s32 $0x1BFF;
	s21 =	sshll.u32 s6, $0x1;
	s3 =	sadd.s32 s4, s19  }
0x9c: {  	s7 =	simm.s32 $0x0;
	s20 =	sshll.u32 s5, $0x1;
	s5 =	sadd.s32 s21, s3  }
0x9d: {  	[timem:s7], [sflag:s22] =	dma.local [hbm:s5], s20  }
0x9e: {  	_ =	swait.ge [sflag:s22], s20  }
0x9f: {  	s4 =	ssub.s32 $0x0, s20;
	[sflag:s22] =	ssyncset.done $0x0  }
0xa0: {  	[sflag:s22] =	ssyncadd.s32 s4;
	_ =	sdelay $0x1  }
0xa1: {  	s23 =	simm.s32 $0x1B8B  }
0xa2: {  	_ =	swait.ge [sflag:s23], $0x1  }
0xa3: {  	[sflag:s23] =	ssyncset.done $0x0  }
0xa4: {  	s25 =	simm.s32 $0x1B8E;
	s24 =	sld [smem:$0x3FFE];
	[sflag:s23] =	ssyncadd.s32 $0xFFFFFFFF  }
0xa5: {  	s26 =	simm.s32 $execute0_lowered;
	[smem:$0x3FD2] =	sst s25  }
0xa6: {  	s5 =	sshll.u32 s26, $0x1;
	_ =	strace $0x80000046;
	[dreg:$0x1] =	wrdreg $0xFFFFFFFF  }
0xa7: {  	s28 =	simm.s32 $_size_execute0_lowered;
	s3 =	sadd.s32 s3, s5;
	[dreg:$0x0] =	wrdreg $0x0  }
0xa8: {  	s5 =	sshll.u32 s28, $0x1;
	[dreg:$0x2] =	wrdreg s3  }
0xa9: {  	[dreg:$0x3] =	wrdreg s5  }
0xaa: {  	[dreg:$0x4] =	wrdreg $0xC0  }
0xab: {  	_ =	task [dreg:s7], $0x5FFFF  }
0xac: {  	[dreg:$0x1] =	wrdreg $0xFFFFFFFF  }
0xad: {  	[dreg:$0x0] =	wrdreg $0x60  }
0xae: {  	[dreg:$0x2] =	wrdreg s2  }
0xaf: {  	[dreg:$0x3] =	wrdreg s24  }
0xb0: {  	[dreg:$0x4] =	wrdreg $0x90000  }
0xb1: {  	[dreg:$0x5] =	wrdreg $0x9  }
0xb2: {  	_ =	task.clear_ibuf [dreg:s7], $0x6FFFF;
	_ =	strace $0x90000046  }
0xb3: {  	s29 =	simm.s32 $0x9;
	_ =	strace $0x80000048  }
0xb4: {  	_ =	swait.ge [sflag:s29], $0x1  }
0xb5: {  	[sflag:s29] =	ssyncadd.s32 $0xFFFFFFFF  }
0xb6: {  	_ =	strace $0x90000048  }
0xb7: {  	_ =	sfence  }
0xb8: {  	s30 =	sld [smem:$0x0];
	_ =	sdelay $0x2  }
0xb9: {  	s31 =	sshll.u32 s1, $0xD;
	s1 =	sshrl.u32 s1, $0x2  }
0xba: {  	s3 =	sand.u32 $0x4000, s31;
	s1 =	sadd.s32 s1, s30  }
0xbb: {  	s0 =	sor.u32 s3, s0;
	s1 =	sshll.u32 s1, $0x11  }
0xbc: {  	s0 =	sor.u32 s1, s0  }
0xbd: {  	s0 =	sadd.s32 $0x8F2B, s0  }
0xbe: {  	[sflag:s0] =	ssyncadd.remote.s32 $0x1  }
0xbf: {  	_ =	sfence.sel $0xFFFF  }
0xc0: {  	[dreg:$0x0] =	wrdreg $0xFFFFFFFF;
	(pc) =	sbr.abs _section_cstart, $3  }
0xc1: {  	[dreg:$0x1] =	wrdreg $0xFFFFFFFF  }
0xc2: {  	_ =	task.clear_ibuf [dreg:s7], $0x2FFFF;
	_ =	strace $0x9FFFFFFF  }
0xc3: {  	(tm) =	ssettm $0x7FFFFFFF  }
tec
execute0_lowered:
.L_overlay_start_1:
0x0: {  	(tag) =	ssettag $0x1  }
0x1: {  	s6 =	rddreg [dreg:$0x0]  }
0x2: {  	s7 =	rddreg [dreg:$0x1]  }
0x3: {  	s0 =	srdreg.scid;
	s2 =	rddreg [dreg:$0x2]  }
0x4: {  	s1 =	rddreg [dreg:$0x3];
	s8 =	sand.u32 $0x1, s0  }
0x5: {  	s0 =	stileid.u32;
	s4 =	smul.u32 $0x140000, s8  }
0x6: {  	s3 =	simm.s32 $0x0;
	s18 =	simm.s32 $0x80;
	s5 =	smul.u32 $0x14000, s0  }
0x7: {  	s19 =	simm.s32 $0x1;
	[smem:$0x7FF] =	sst s3;
	s9 =	smul.u32 $0x50000, s8  }
0x8: {  	s20 =	simm.s32 $0x0;
	s10 =	smul.u32 $0x5000, s0;
	_ =	strace $0x80000047  }
0x9: {  	s12 =	smul.u32 $0x50000, s0;
	s8 =	ssub.s32 $0x2, s8;
	s31 =	sshll.u32 s0, $0x6  }
0xa: {  	s30 =	sshrl.u32 s8, $0x1;
	s4 =	sadd.s32 s5, s4;
	s5 =	sadd.s32 $0x2A00, s7  }
0xb: {  	s9 =	sadd.s32 s10, s9;
	s29 =	sshrl.u32 s12, $0x2;
	s8 =	ssub.s32 s8, s30  }
0xc: {  	s10 =	simm.s32 $0x3;
	s12 =	sor.u32 $0x1C03, s31;
	s11 =	sshrl.u32 s4, $0x3  }
0xd: {  	s4 =	sadd.s32 $0x3200, s7;
	s9 =	sshrl.u32 s9, $0x3;
	s13 =	sadd.s32 s29, s2  }
0xe: {  	s8 =	smax.u32 s8, $0x1;
	s7 =	sadd.s32 s11, s7;
	s6 =	sadd.s32 s6, s9  }
0xf: {  	s14 =	sadd.s32 $0x4000, s13;
	s15 =	sadd.s32 $0x8000, s13;
	s16 =	sadd.s32 $0xC000, s13  }
0x10: {  	s17 =	sadd.s32 $0x10000, s13;
	s9 =	simm.s32 $0x5000;
	s11 =	simm.s32 $0x2  }
0x11: {  	s13 =	sshrl.u32 s13, $0x3;
	s7 =	sadd.s32 $0x3A00, s7;
	s14 =	sshrl.u32 s14, $0x3  }
0x12: {  	s15 =	sshrl.u32 s15, $0x3;
	s16 =	sshrl.u32 s16, $0x3;
	s17 =	sshrl.u32 s17, $0x3  }
.LBB2_1:
0x13: {  	[tilespmem:s9], [sflag:$0x3] =	stream.linear.gather [hbm4b:s4+s3], $0x4000, $0x38;
	[tilespmem:$0x1D000] =	vst v63  }
0x14: {  	_ =	swait.ge [sflag:s10], $0x4000  }
0x15: {  	[sflag:s10] =	ssyncset.done $0x0  }
0x16: {  	[sflag:s10] =	ssyncadd.s32 $0xFFFFC000  }
0x17: {  	[tilespmem:s3], [sflag:$0x2] =	stream.linear.gather [hbm4b:s6+s3], $0x5000, $0x38;
	[tilespmem:$0x1D000] =	vst v63  }
0x18: {  	_ =	swait.ge [sflag:s11], $0x5000  }
0x19: {  	[sflag:s11] =	ssyncset.done $0x0  }
0x1a: {  	[sflag:s11] =	ssyncadd.s32 $0xFFFFB000  }
0x1b: {  	[spmem:s13], [sflag:s12] =	dma.local [hbm:s5], $0x800  }
0x1c: {  	_ =	swait.ge [sflag:s10], $0x800  }
0x1d: {  	[sflag:s10] =	ssyncset.done $0x0  }
0x1e: {  	[sflag:s10] =	ssyncadd.s32 $0xFFFFF800  }
0x1f: {  	[spmem:s14], [sflag:s12] =	dma.local [hbm:s5], $0x800  }
0x20: {  	_ =	swait.ge [sflag:s10], $0x800  }
0x21: {  	[sflag:s10] =	ssyncset.done $0x0  }
0x22: {  	[sflag:s10] =	ssyncadd.s32 $0xFFFFF800  }
0x23: {  	[spmem:s15], [sflag:s12] =	dma.local [hbm:s5], $0x800  }
0x24: {  	_ =	swait.ge [sflag:s10], $0x800  }
0x25: {  	[sflag:s10] =	ssyncset.done $0x0  }
0x26: {  	[sflag:s10] =	ssyncadd.s32 $0xFFFFF800  }
0x27: {  	[spmem:s16], [sflag:s12] =	dma.local [hbm:s5], $0x800  }
0x28: {  	_ =	swait.ge [sflag:s10], $0x800  }
0x29: {  	[sflag:s10] =	ssyncset.done $0x0  }
0x2a: {  	[sflag:s10] =	ssyncadd.s32 $0xFFFFF800  }
0x2b: {  	[spmem:s17], [sflag:s12] =	dma.local [hbm:s5], $0x800  }
0x2c: {  	_ =	swait.ge [sflag:s10], $0x800  }
0x2d: {  	[sflag:s10] =	ssyncset.done $0x0  }
0x2e: {  	[sflag:s10] =	ssyncadd.s32 $0xFFFFF800  }
0x2f: {  	s21 =	simm.s32 $0x0;
	[bflag:$0x0] =	sbarrier.arrive $0xFFFF  }
0x30: {  	[spmem:s2] =	stream.indirect.scatter.add.f32 [tilespmem:s9], [sflag:$0x1], $0x80, s21, s18, $0xb8;
	[tilespmem:$0x1D000] =	vst v63  }
0x31: {  	s25 =	simm.s32 $0x80  }
0x32: {  	[spmem:s2] =	stream.indirect.scatter.add.f32 [tilespmem:s9], [sflag:$0x1], $0x80, s25, s18, $0xb8;
	[tilespmem:$0x1D000] =	vst v63  }
0x33: {  	s26 =	simm.s32 $0x100  }
0x34: {  	[spmem:s2] =	stream.indirect.scatter.add.f32 [tilespmem:s9], [sflag:$0x1], $0x80, s26, s18, $0xb8;
	[tilespmem:$0x1D000] =	vst v63  }
0x35: {  	s28 =	simm.s32 $0x180  }
0x36: {  	[spmem:s2] =	stream.indirect.scatter.add.f32 [tilespmem:s9], [sflag:$0x1], $0x80, s28, s18, $0xb8;
	[tilespmem:$0x1D000] =	vst v63  }
0x37: {  	s29 =	simm.s32 $0x200  }
0x38: {  	[spmem:s2] =	stream.indirect.scatter.add.f32 [tilespmem:s9], [sflag:$0x1], $0x80, s29, s18, $0xb8;
	[tilespmem:$0x1D000] =	vst v63  }
0x39: {  	s30 =	simm.s32 $0x280  }
0x3a: {  	[spmem:s2] =	stream.indirect.scatter.add.f32 [tilespmem:s9], [sflag:$0x1], $0x80, s30, s18, $0xb8;
	[tilespmem:$0x1D000] =	vst v63  }
0x3b: {  	s31 =	simm.s32 $0x300  }
0x3c: {  	[spmem:s2] =	stream.indirect.scatter.add.f32 [tilespmem:s9], [sflag:$0x1], $0x80, s31, s18, $0xb8;
	[tilespmem:$0x1D000] =	vst v63  }
0x3d: {  	s22 =	simm.s32 $0x380  }
0x3e: {  	[spmem:s2] =	stream.indirect.scatter.add.f32 [tilespmem:s9], [sflag:$0x1], $0x80, s22, s18, $0xb8;
	[tilespmem:$0x1D000] =	vst v63  }
0x3f: {  	s23 =	simm.s32 $0x400  }
0x40: {  	[spmem:s2] =	stream.indirect.scatter.add.f32 [tilespmem:s9], [sflag:$0x1], $0x80, s23, s18, $0xb8;
	[tilespmem:$0x1D000] =	vst v63  }
0x41: {  	s24 =	simm.s32 $0x480  }
0x42: {  	[spmem:s2] =	stream.indirect.scatter.add.f32 [tilespmem:s9], [sflag:$0x1], $0x80, s24, s18, $0xb8;
	[tilespmem:$0x1D000] =	vst v63  }
0x43: {  	s25 =	simm.s32 $0x500  }
0x44: {  	[spmem:s2] =	stream.indirect.scatter.add.f32 [tilespmem:s9], [sflag:$0x1], $0x80, s25, s18, $0xb8;
	[tilespmem:$0x1D000] =	vst v63  }
0x45: {  	s26 =	simm.s32 $0x580  }
0x46: {  	[spmem:s2] =	stream.indirect.scatter.add.f32 [tilespmem:s9], [sflag:$0x1], $0x80, s26, s18, $0xb8;
	[tilespmem:$0x1D000] =	vst v63  }
0x47: {  	s28 =	simm.s32 $0x600  }
0x48: {  	[spmem:s2] =	stream.indirect.scatter.add.f32 [tilespmem:s9], [sflag:$0x1], $0x80, s28, s18, $0xb8;
	[tilespmem:$0x1D000] =	vst v63  }
0x49: {  	s29 =	simm.s32 $0x680  }
0x4a: {  	[spmem:s2] =	stream.indirect.scatter.add.f32 [tilespmem:s9], [sflag:$0x1], $0x80, s29, s18, $0xb8;
	[tilespmem:$0x1D000] =	vst v63  }
0x4b: {  	s30 =	simm.s32 $0x700  }
0x4c: {  	[spmem:s2] =	stream.indirect.scatter.add.f32 [tilespmem:s9], [sflag:$0x1], $0x80, s30, s18, $0xb8;
	[tilespmem:$0x1D000] =	vst v63  }
0x4d: {  	s31 =	simm.s32 $0x780  }
0x4e: {  	[spmem:s2] =	stream.indirect.scatter.add.f32 [tilespmem:s9], [sflag:$0x1], $0x80, s31, s18, $0xb8;
	[tilespmem:$0x1D000] =	vst v63  }
0x4f: {  	_ =	swait.ge [sflag:s19], $0x4000  }
0x50: {  	[sflag:s19] =	ssyncset.done $0x0  }
0x51: {  	[sflag:s19] =	ssyncadd.s32 $0xFFFFC000  }
0x52: {  	_ =	swait.ge [sflag:s19], $0x4000  }
0x53: {  	[sflag:s19] =	ssyncset.done $0x0  }
0x54: {  	[sflag:s19] =	ssyncadd.s32 $0xFFFFC000  }
0x55: {  	_ =	swait.ge [sflag:s19], $0x4000  }
0x56: {  	[sflag:s19] =	ssyncset.done $0x0  }
0x57: {  	[sflag:s19] =	ssyncadd.s32 $0xFFFFC000  }
0x58: {  	_ =	swait.ge [sflag:s19], $0x4000  }
0x59: {  	[sflag:s19] =	ssyncset.done $0x0  }
0x5a: {  	[sflag:s19] =	ssyncadd.s32 $0xFFFFC000  }
0x5b: {  	_ =	swait.ge [sflag:s19], $0x4000  }
0x5c: {  	[sflag:s19] =	ssyncset.done $0x0  }
0x5d: {  	[sflag:s19] =	ssyncadd.s32 $0xFFFFC000  }
0x5e: {  	_ =	swait.ge [sflag:s19], $0x4000  }
0x5f: {  	[sflag:s19] =	ssyncset.done $0x0  }
0x60: {  	[sflag:s19] =	ssyncadd.s32 $0xFFFFC000  }
0x61: {  	_ =	swait.ge [sflag:s19], $0x4000  }
0x62: {  	[sflag:s19] =	ssyncset.done $0x0  }
0x63: {  	[sflag:s19] =	ssyncadd.s32 $0xFFFFC000  }
0x64: {  	_ =	swait.ge [sflag:s19], $0x4000  }
0x65: {  	[sflag:s19] =	ssyncset.done $0x0  }
0x66: {  	[sflag:s19] =	ssyncadd.s32 $0xFFFFC000  }
0x67: {  	_ =	swait.ge [sflag:s19], $0x4000  }
0x68: {  	[sflag:s19] =	ssyncset.done $0x0  }
0x69: {  	[sflag:s19] =	ssyncadd.s32 $0xFFFFC000  }
0x6a: {  	_ =	swait.ge [sflag:s19], $0x4000  }
0x6b: {  	[sflag:s19] =	ssyncset.done $0x0  }
0x6c: {  	[sflag:s19] =	ssyncadd.s32 $0xFFFFC000  }
0x6d: {  	_ =	swait.ge [sflag:s19], $0x4000  }
0x6e: {  	[sflag:s19] =	ssyncset.done $0x0  }
0x6f: {  	[sflag:s19] =	ssyncadd.s32 $0xFFFFC000  }
0x70: {  	_ =	swait.ge [sflag:s19], $0x4000  }
0x71: {  	[sflag:s19] =	ssyncset.done $0x0  }
0x72: {  	[sflag:s19] =	ssyncadd.s32 $0xFFFFC000  }
0x73: {  	_ =	swait.ge [sflag:s19], $0x4000  }
0x74: {  	[sflag:s19] =	ssyncset.done $0x0  }
0x75: {  	[sflag:s19] =	ssyncadd.s32 $0xFFFFC000  }
0x76: {  	_ =	swait.ge [sflag:s19], $0x4000  }
0x77: {  	[sflag:s19] =	ssyncset.done $0x0  }
0x78: {  	[sflag:s19] =	ssyncadd.s32 $0xFFFFC000  }
0x79: {  	_ =	swait.ge [sflag:s19], $0x4000  }
0x7a: {  	[sflag:s19] =	ssyncset.done $0x0  }
0x7b: {  	[sflag:s19] =	ssyncadd.s32 $0xFFFFC000  }
0x7c: {  	_ =	swait.ge [sflag:s19], $0x4000  }
0x7d: {  	s21 =	simm.s32 $0x2000;
	s24 =	simm.s32 $0x4000;
	[sflag:s19] =	ssyncset.done $0x0  }
.LBB2_2:
0x7e: {  	s23 =	sshra.s32 s21, $0x2  }
0x7f: {  	[sflag:s19] =	ssyncadd.s32 $0xFFFFC000;
	s21 =	smov.u32 s24;
	s22 =	sadd.s32 $0x2000, s24  }
0x80: {  	[spmem:s2] =	stream.indirect.scatter.add.f32 [tilespmem:s9], [sflag:$0x1], $0x80, s23, s18, $0xb8;
	[tilespmem:$0x1D000] =	vst v63  }
0x81: {  	p0 =	sne.s32 s24, $0x12000;
	s24 =	sadd.s32 $0x80, s23  }
0x82: {  	[spmem:s2] =	stream.indirect.scatter.add.f32 [tilespmem:s9], [sflag:$0x1], $0x80, s24, s18, $0xb8;
	[tilespmem:$0x1D000] =	vst v63  }
0x83: {  	s24 =	sadd.s32 $0x100, s23  }
0x84: {  	[spmem:s2] =	stream.indirect.scatter.add.f32 [tilespmem:s9], [sflag:$0x1], $0x80, s24, s18, $0xb8;
	[tilespmem:$0x1D000] =	vst v63  }
0x85: {  	s24 =	sadd.s32 $0x180, s23  }
0x86: {  	[spmem:s2] =	stream.indirect.scatter.add.f32 [tilespmem:s9], [sflag:$0x1], $0x80, s24, s18, $0xb8;
	[tilespmem:$0x1D000] =	vst v63  }
0x87: {  	s24 =	sadd.s32 $0x200, s23  }
0x88: {  	[spmem:s2] =	stream.indirect.scatter.add.f32 [tilespmem:s9], [sflag:$0x1], $0x80, s24, s18, $0xb8;
	[tilespmem:$0x1D000] =	vst v63  }
0x89: {  	s24 =	sadd.s32 $0x280, s23  }
0x8a: {  	[spmem:s2] =	stream.indirect.scatter.add.f32 [tilespmem:s9], [sflag:$0x1], $0x80, s24, s18, $0xb8;
	[tilespmem:$0x1D000] =	vst v63  }
0x8b: {  	s24 =	sadd.s32 $0x300, s23  }
0x8c: {  	[spmem:s2] =	stream.indirect.scatter.add.f32 [tilespmem:s9], [sflag:$0x1], $0x80, s24, s18, $0xb8;
	[tilespmem:$0x1D000] =	vst v63  }
0x8d: {  	s24 =	sadd.s32 $0x380, s23  }
0x8e: {  	[spmem:s2] =	stream.indirect.scatter.add.f32 [tilespmem:s9], [sflag:$0x1], $0x80, s24, s18, $0xb8;
	[tilespmem:$0x1D000] =	vst v63  }
0x8f: {  	s24 =	sadd.s32 $0x400, s23  }
0x90: {  	[spmem:s2] =	stream.indirect.scatter.add.f32 [tilespmem:s9], [sflag:$0x1], $0x80, s24, s18, $0xb8;
	[tilespmem:$0x1D000] =	vst v63  }
0x91: {  	s24 =	sadd.s32 $0x480, s23  }
0x92: {  	[spmem:s2] =	stream.indirect.scatter.add.f32 [tilespmem:s9], [sflag:$0x1], $0x80, s24, s18, $0xb8;
	[tilespmem:$0x1D000] =	vst v63  }
0x93: {  	s24 =	sadd.s32 $0x500, s23  }
0x94: {  	[spmem:s2] =	stream.indirect.scatter.add.f32 [tilespmem:s9], [sflag:$0x1], $0x80, s24, s18, $0xb8;
	[tilespmem:$0x1D000] =	vst v63  }
0x95: {  	s24 =	sadd.s32 $0x580, s23  }
0x96: {  	[spmem:s2] =	stream.indirect.scatter.add.f32 [tilespmem:s9], [sflag:$0x1], $0x80, s24, s18, $0xb8;
	[tilespmem:$0x1D000] =	vst v63  }
0x97: {  	s24 =	sadd.s32 $0x600, s23  }
0x98: {  	[spmem:s2] =	stream.indirect.scatter.add.f32 [tilespmem:s9], [sflag:$0x1], $0x80, s24, s18, $0xb8;
	[tilespmem:$0x1D000] =	vst v63  }
0x99: {  	s24 =	sadd.s32 $0x680, s23  }
0x9a: {  	[spmem:s2] =	stream.indirect.scatter.add.f32 [tilespmem:s9], [sflag:$0x1], $0x80, s24, s18, $0xb8;
	[tilespmem:$0x1D000] =	vst v63  }
0x9b: {  	s24 =	sadd.s32 $0x700, s23  }
0x9c: {  	[spmem:s2] =	stream.indirect.scatter.add.f32 [tilespmem:s9], [sflag:$0x1], $0x80, s24, s18, $0xb8;
	[tilespmem:$0x1D000] =	vst v63  }
0x9d: {  	s23 =	sadd.s32 $0x780, s23  }
0x9e: {  	[spmem:s2] =	stream.indirect.scatter.add.f32 [tilespmem:s9], [sflag:$0x1], $0x80, s23, s18, $0xb8;
	[tilespmem:$0x1D000] =	vst v63  }
0x9f: {  	_ =	swait.ge [sflag:s19], $0x4000  }
0xa0: {  	[sflag:s19] =	ssyncset.done $0x0  }
0xa1: {  	[sflag:s19] =	ssyncadd.s32 $0xFFFFC000  }
0xa2: {  	_ =	swait.ge [sflag:s19], $0x4000  }
0xa3: {  	[sflag:s19] =	ssyncset.done $0x0  }
0xa4: {  	[sflag:s19] =	ssyncadd.s32 $0xFFFFC000  }
0xa5: {  	_ =	swait.ge [sflag:s19], $0x4000  }
0xa6: {  	[sflag:s19] =	ssyncset.done $0x0  }
0xa7: {  	[sflag:s19] =	ssyncadd.s32 $0xFFFFC000  }
0xa8: {  	_ =	swait.ge [sflag:s19], $0x4000  }
0xa9: {  	[sflag:s19] =	ssyncset.done $0x0  }
0xaa: {  	[sflag:s19] =	ssyncadd.s32 $0xFFFFC000  }
0xab: {  	_ =	swait.ge [sflag:s19], $0x4000  }
0xac: {  	[sflag:s19] =	ssyncset.done $0x0  }
0xad: {  	[sflag:s19] =	ssyncadd.s32 $0xFFFFC000  }
0xae: {  	_ =	swait.ge [sflag:s19], $0x4000  }
0xaf: {  	[sflag:s19] =	ssyncset.done $0x0  }
0xb0: {  	[sflag:s19] =	ssyncadd.s32 $0xFFFFC000  }
0xb1: {  	_ =	swait.ge [sflag:s19], $0x4000  }
0xb2: {  	[sflag:s19] =	ssyncset.done $0x0  }
0xb3: {  	[sflag:s19] =	ssyncadd.s32 $0xFFFFC000  }
0xb4: {  	_ =	swait.ge [sflag:s19], $0x4000  }
0xb5: {  	[sflag:s19] =	ssyncset.done $0x0  }
0xb6: {  	[sflag:s19] =	ssyncadd.s32 $0xFFFFC000  }
0xb7: {  	_ =	swait.ge [sflag:s19], $0x4000  }
0xb8: {  	[sflag:s19] =	ssyncset.done $0x0  }
0xb9: {  	[sflag:s19] =	ssyncadd.s32 $0xFFFFC000  }
0xba: {  	_ =	swait.ge [sflag:s19], $0x4000  }
0xbb: {  	[sflag:s19] =	ssyncset.done $0x0  }
0xbc: {  	[sflag:s19] =	ssyncadd.s32 $0xFFFFC000  }
0xbd: {  	_ =	swait.ge [sflag:s19], $0x4000  }
0xbe: {  	[sflag:s19] =	ssyncset.done $0x0  }
0xbf: {  	[sflag:s19] =	ssyncadd.s32 $0xFFFFC000  }
0xc0: {  	_ =	swait.ge [sflag:s19], $0x4000  }
0xc1: {  	[sflag:s19] =	ssyncset.done $0x0  }
0xc2: {  	[sflag:s19] =	ssyncadd.s32 $0xFFFFC000  }
0xc3: {  	_ =	swait.ge [sflag:s19], $0x4000  }
0xc4: {  	[sflag:s19] =	ssyncset.done $0x0  }
0xc5: {  	[sflag:s19] =	ssyncadd.s32 $0xFFFFC000  }
0xc6: {  	_ =	swait.ge [sflag:s19], $0x4000  }
0xc7: {  	[sflag:s19] =	ssyncset.done $0x0  }
0xc8: {  	[sflag:s19] =	ssyncadd.s32 $0xFFFFC000  }
.Ltmp0:
0xc9: {  	_ =	swait.ge [sflag:s19], $0x4000;
	(pc) =	sbr.rel @p0 .LBB2_2-.Ltmp0, $4  }
0xca: {  	[sflag:s19] =	ssyncset.done $0x0  }
0xcb: {  	[sflag:s19] =	ssyncadd.s32 $0xFFFFC000  }
0xcc: {  	_ =	swait.ge [sflag:s19], $0x4000  }
0xcd: {  	s24 =	smov.u32 s22;
	[sflag:s19] =	ssyncset.done $0x0  }
0xce: {  	s21 =	sshra.s32 s21, $0x2;
	[sflag:s19] =	ssyncadd.s32 $0xFFFFC000  }
0xcf: {  	[spmem:s2] =	stream.indirect.scatter.add.f32 [tilespmem:s9], [sflag:$0x1], $0x80, s21, s18, $0xb8;
	[tilespmem:$0x1D000] =	vst v63  }
0xd0: {  	s22 =	sadd.s32 $0x80, s21  }
0xd1: {  	[spmem:s2] =	stream.indirect.scatter.add.f32 [tilespmem:s9], [sflag:$0x1], $0x80, s22, s18, $0xb8;
	[tilespmem:$0x1D000] =	vst v63  }
0xd2: {  	s26 =	sadd.s32 $0x100, s21  }
0xd3: {  	[spmem:s2] =	stream.indirect.scatter.add.f32 [tilespmem:s9], [sflag:$0x1], $0x80, s26, s18, $0xb8;
	[tilespmem:$0x1D000] =	vst v63  }
0xd4: {  	s28 =	sadd.s32 $0x180, s21  }
0xd5: {  	[spmem:s2] =	stream.indirect.scatter.add.f32 [tilespmem:s9], [sflag:$0x1], $0x80, s28, s18, $0xb8;
	[tilespmem:$0x1D000] =	vst v63  }
0xd6: {  	s29 =	sadd.s32 $0x200, s21  }
0xd7: {  	[spmem:s2] =	stream.indirect.scatter.add.f32 [tilespmem:s9], [sflag:$0x1], $0x80, s29, s18, $0xb8;
	[tilespmem:$0x1D000] =	vst v63  }
0xd8: {  	s30 =	sadd.s32 $0x280, s21  }
0xd9: {  	[spmem:s2] =	stream.indirect.scatter.add.f32 [tilespmem:s9], [sflag:$0x1], $0x80, s30, s18, $0xb8;
	[tilespmem:$0x1D000] =	vst v63  }
0xda: {  	s31 =	sadd.s32 $0x300, s21  }
0xdb: {  	[spmem:s2] =	stream.indirect.scatter.add.f32 [tilespmem:s9], [sflag:$0x1], $0x80, s31, s18, $0xb8;
	[tilespmem:$0x1D000] =	vst v63  }
0xdc: {  	s23 =	sadd.s32 $0x380, s21  }
0xdd: {  	[spmem:s2] =	stream.indirect.scatter.add.f32 [tilespmem:s9], [sflag:$0x1], $0x80, s23, s18, $0xb8;
	[tilespmem:$0x1D000] =	vst v63  }
0xde: {  	s24 =	sadd.s32 $0x400, s21  }
0xdf: {  	[spmem:s2] =	stream.indirect.scatter.add.f32 [tilespmem:s9], [sflag:$0x1], $0x80, s24, s18, $0xb8;
	[tilespmem:$0x1D000] =	vst v63  }
0xe0: {  	s25 =	sadd.s32 $0x480, s21  }
0xe1: {  	[spmem:s2] =	stream.indirect.scatter.add.f32 [tilespmem:s9], [sflag:$0x1], $0x80, s25, s18, $0xb8;
	[tilespmem:$0x1D000] =	vst v63  }
0xe2: {  	s26 =	sadd.s32 $0x500, s21  }
0xe3: {  	[spmem:s2] =	stream.indirect.scatter.add.f32 [tilespmem:s9], [sflag:$0x1], $0x80, s26, s18, $0xb8;
	[tilespmem:$0x1D000] =	vst v63  }
0xe4: {  	s28 =	sadd.s32 $0x580, s21  }
0xe5: {  	[spmem:s2] =	stream.indirect.scatter.add.f32 [tilespmem:s9], [sflag:$0x1], $0x80, s28, s18, $0xb8;
	[tilespmem:$0x1D000] =	vst v63  }
0xe6: {  	s29 =	sadd.s32 $0x600, s21  }
0xe7: {  	[spmem:s2] =	stream.indirect.scatter.add.f32 [tilespmem:s9], [sflag:$0x1], $0x80, s29, s18, $0xb8;
	[tilespmem:$0x1D000] =	vst v63  }
0xe8: {  	s30 =	sadd.s32 $0x680, s21  }
0xe9: {  	[spmem:s2] =	stream.indirect.scatter.add.f32 [tilespmem:s9], [sflag:$0x1], $0x80, s30, s18, $0xb8;
	[tilespmem:$0x1D000] =	vst v63  }
0xea: {  	s31 =	sadd.s32 $0x700, s21  }
0xeb: {  	[spmem:s2] =	stream.indirect.scatter.add.f32 [tilespmem:s9], [sflag:$0x1], $0x80, s31, s18, $0xb8;
	[tilespmem:$0x1D000] =	vst v63  }
0xec: {  	s21 =	sadd.s32 $0x780, s21  }
0xed: {  	[spmem:s2] =	stream.indirect.scatter.add.f32 [tilespmem:s9], [sflag:$0x1], $0x80, s21, s18, $0xb8;
	[tilespmem:$0x1D000] =	vst v63  }
0xee: {  	_ =	swait.ge [sflag:s19], $0x4000  }
0xef: {  	[sflag:s19] =	ssyncset.done $0x0  }
0xf0: {  	[sflag:s19] =	ssyncadd.s32 $0xFFFFC000  }
0xf1: {  	_ =	swait.ge [sflag:s19], $0x4000  }
0xf2: {  	[sflag:s19] =	ssyncset.done $0x0  }
0xf3: {  	[sflag:s19] =	ssyncadd.s32 $0xFFFFC000  }
0xf4: {  	_ =	swait.ge [sflag:s19], $0x4000  }
0xf5: {  	[sflag:s19] =	ssyncset.done $0x0  }
0xf6: {  	[sflag:s19] =	ssyncadd.s32 $0xFFFFC000  }
0xf7: {  	_ =	swait.ge [sflag:s19], $0x4000  }
0xf8: {  	[sflag:s19] =	ssyncset.done $0x0  }
0xf9: {  	[sflag:s19] =	ssyncadd.s32 $0xFFFFC000  }
0xfa: {  	_ =	swait.ge [sflag:s19], $0x4000  }
0xfb: {  	[sflag:s19] =	ssyncset.done $0x0  }
0xfc: {  	[sflag:s19] =	ssyncadd.s32 $0xFFFFC000  }
0xfd: {  	_ =	swait.ge [sflag:s19], $0x4000  }
0xfe: {  	[sflag:s19] =	ssyncset.done $0x0  }
0xff: {  	[sflag:s19] =	ssyncadd.s32 $0xFFFFC000  }
0x100: {  	_ =	swait.ge [sflag:s19], $0x4000  }
0x101: {  	[sflag:s19] =	ssyncset.done $0x0  }
0x102: {  	[sflag:s19] =	ssyncadd.s32 $0xFFFFC000  }
0x103: {  	_ =	swait.ge [sflag:s19], $0x4000  }
0x104: {  	[sflag:s19] =	ssyncset.done $0x0  }
0x105: {  	[sflag:s19] =	ssyncadd.s32 $0xFFFFC000  }
0x106: {  	_ =	swait.ge [sflag:s19], $0x4000  }
0x107: {  	[sflag:s19] =	ssyncset.done $0x0  }
0x108: {  	[sflag:s19] =	ssyncadd.s32 $0xFFFFC000  }
0x109: {  	_ =	swait.ge [sflag:s19], $0x4000  }
0x10a: {  	[sflag:s19] =	ssyncset.done $0x0  }
0x10b: {  	[sflag:s19] =	ssyncadd.s32 $0xFFFFC000  }
0x10c: {  	_ =	swait.ge [sflag:s19], $0x4000  }
0x10d: {  	[sflag:s19] =	ssyncset.done $0x0  }
0x10e: {  	[sflag:s19] =	ssyncadd.s32 $0xFFFFC000  }
0x10f: {  	_ =	swait.ge [sflag:s19], $0x4000  }
0x110: {  	[sflag:s19] =	ssyncset.done $0x0  }
0x111: {  	[sflag:s19] =	ssyncadd.s32 $0xFFFFC000  }
0x112: {  	_ =	swait.ge [sflag:s19], $0x4000  }
0x113: {  	[sflag:s19] =	ssyncset.done $0x0  }
0x114: {  	[sflag:s19] =	ssyncadd.s32 $0xFFFFC000  }
0x115: {  	_ =	swait.ge [sflag:s19], $0x4000  }
0x116: {  	[sflag:s19] =	ssyncset.done $0x0  }
0x117: {  	[sflag:s19] =	ssyncadd.s32 $0xFFFFC000  }
0x118: {  	_ =	swait.ge [sflag:s19], $0x4000  }
0x119: {  	[sflag:s19] =	ssyncset.done $0x0  }
0x11a: {  	[sflag:s19] =	ssyncadd.s32 $0xFFFFC000  }
0x11b: {  	_ =	swait.ge [sflag:s19], $0x4000  }
0x11c: {  	s20 =	sadd.s32 $0x1, s20;
	[sflag:s19] =	ssyncset.done $0x0  }
0x11d: {  	p0 =	sne.s32 s20, s8;
	[sflag:s19] =	ssyncadd.s32 $0xFFFFC000  }
.Ltmp1:
0x11e: {  	[bflag:$0x0] =	sbarrier.arrive $0xFFFF;
	(pc) =	sbr.rel @p0 .LBB2_1-.Ltmp1, $4  }
0x11f: {  	[hbm:s7], [sflag:s12] =	dma.local [spmem:s13], $0x2800  }
0x120: {  	_ =	swait.ge [sflag:s10], $0x2800  }
0x121: {  	[sflag:s10] =	ssyncset.done $0x0  }
0x122: {  	[sflag:s10] =	ssyncadd.s32 $0xFFFFD800  }
0x123: {  	_ =	sfence.sel $0x180000  }
0x124: {  	[bflag:$0x0] =	sbarrier.arrive $0xFFFF  }
0x125: {  	p0 =	sne.s32 s0, $0x0;
	_ =	strace $0x90000047  }
0x126: {  	s0 =	sadd.s32 @!p0 $0x100000, s1;
	[bflag:$0x2] =	sbarrier.arrive $0xFFFF  }
0x127: {  	[sflag:s0] =	ssyncadd.tile.s32 @!p0 $0x1;
	_ =	shalt  }
.Lfunc_end2:
_tile_overlayer_lowered:
.L_overlay_start_2:
0x128: {  	(tag) =	ssettag $0x2  }
0x129: {  	s0 =	rddreg [dreg:$0x0];
	s2 =	stileid.u32  }
0x12a: {  	s1 =	rddreg [dreg:$0x1];
	p0 =	sne.s32 s2, $0x0  }
0x12b: {  	s3 =	rddreg [dreg:$0x2];
	[bflag:$0x3] =	sbarrier.arrive $0xFFFF;
	s2 =	simm.s32 @!p0 $0x1C03  }
0x12c: {  	[timem:s3], [sflag:s2] =	dma.local @!p0 [hbm:s0], s1  }
0x12d: {  	s0 =	simm.s32 @!p0 $0x3  }
0x12e: {  	_ =	swait.ge @!p0 [sflag:s0], s1  }
0x12f: {  	s1 =	ssub.s32 @!p0 $0x0, s1;
	[sflag:s0] =	ssyncset.done @!p0 $0x0  }
0x130: {  	[sflag:s0] =	ssyncadd.s32 @!p0 s1  }
0x131: {  	[bflag:$0x3] =	sbarrier.arrive $0xFFFF  }
0x132: {  	_ =	shalt  }

// kernel: kernel.9.cloned.1.call-start
scs
__scs_entry_jumppad:
0x0: {  	(pc) =	sbr.rel $0x88, $3  }
0x1: {  	(tag) =	ssettag $0x0;
	lr =	simm.s32 $0x1  }
0x2: {  	[smem:$0x3F9B] =	sst lr;
	_ =	strace $0xD0000000  }
0x3: {  	_ = 	snop  }
0x4: {  	_ = 	snop  }
0x5: {  	_ = 	snop  }
0x6: {  	_ = 	snop  }
0x7: {  	_ = 	snop  }
__scs_overlays_trampoline_lowered:
0x8: {  	[smem:$0x3FAA] =	sst s0  }
0x9: {  	[smem:$0x3FAB] =	sst s1  }
0xa: {  	[smem:$0x3FAC] =	sst s2  }
0xb: {  	[smem:$0x3FAD] =	sst s3  }
0xc: {  	[smem:$0x3FAE] =	sst s4  }
0xd: {  	[smem:$0x3FAF] =	sst s5  }
0xe: {  	[smem:$0x3FB0] =	sst s6  }
0xf: {  	[smem:$0x3FB1] =	sst s7  }
0x10: {  	[smem:$0x3FB2] =	sst s8  }
0x11: {  	[smem:$0x3FB3] =	sst s9;
	s0 =	simm.s32 @!p0 $0x0  }
0x12: {  	s1 =	sld [smem:$0x3F99];
	s0 =	simm.s32 @p0 $0x1  }
0x13: {  	[smem:$0x3FB4] =	sst s0;
	s0 =	simm.s32 @!p1 $0x0  }
0x14: {  	s2 =	sld [smem:$0x3F98];
	s0 =	simm.s32 @p1 $0x1  }
0x15: {  	[smem:$0x3FB5] =	sst s0;
	s0 =	simm.s32 @!p2 $0x0  }
0x16: {  	s3 =	sld [smem:$0x3FDB];
	s0 =	simm.s32 @p2 $0x1  }
0x17: {  	s4 =	simm.s32 $0x1BF5;
	[smem:$0x3FB7] =	sst s0  }
0x18: {  	s0 =	sld [smem:$0x3F9A];
	_ =	swait.ge [sflag:s4], $0x0  }
0x19: {  	s7 =	sld [smem:$0x3F9B]  }
0x1a: {  	s8 =	sadd.s32 $0xFFFFE003, lr  }
0x1b: {  	s9 =	sadd.s32 $0xFFFFFEF7, lr;
	s5 =	simm.s32 $0xFFFFFFFF;
	p2 =	slt.u32 s8, $0xFFFFF086  }
0x1c: {  	p1 =	slt.u32 s9, $0xF7A;
	s5 =	simm.s32 @!p2 $0x0  }
0x1d: {  	s5 =	simm.s32 @p1 $0x1;
	p0 =	seq.s32 s7, s2  }
0x1e: {  	s7 =	smul.u32 @!p0 $0xF7A, s2;
	p2 =	seq.s32 @!p0 s5, $0x0  }
0x1f: {  	s9 =	smul.u32 $0xF7A, s1;
	s8 =	simm.s32 @!p0 $0x1BF5;
	p2 =	por !p2, p0  }
0x20: {  	[sflag:s8] =	ssyncset.s32 @!p0 $0xFFFFF086;
	s6 =	sadd.s32 @!p0 s3, s7;
	s7 =	simm.s32 @!p0 $0x108  }
0x21: {  	s3 =	sadd.s32 s3, s9;
	s6 =	sadd.s32 @!p0 $0x88, s6;
	s7 =	simm.s32 @p2 $0x1082  }
0x22: {  	[simem:s7], [sflag:s8] =	dma.local @!p0 [hbm:s6], $0xF7A  }
0x23: {  	s9 =	sor.u32 $0xD0000000, s2;
	s6 =	simm.s32 $0x108;
	_ =	swait.ge @!p0 [sflag:s8], $0x0  }
0x24: {  	s3 =	sadd.s32 $0x88, s3;
	s6 =	simm.s32 @!p1 $0x1082;
	[sflag:s4] =	ssyncset.s32 $0xFFFFF086  }
0x25: {  	[simem:s6], [sflag:s4] =	dma.local [hbm:s3], $0xF7A  }
0x26: {  	[smem:$0x3F9B] =	sst s1;
	(tag) =	ssettag s2;
	_ =	strace s9  }
0x27: {  	s1 =	sld [smem:$0x3FAB]  }
0x28: {  	s2 =	sld [smem:$0x3FAC]  }
0x29: {  	s4 =	sld [smem:$0x3FAE]  }
0x2a: {  	p0 =	seq.s32 s5, $0x0;
	s5 =	sld [smem:$0x3FAF]  }
0x2b: {  	s6 =	sld [smem:$0x3FB0]  }
0x2c: {  	s7 =	sld [smem:$0x3FB1]  }
0x2d: {  	s3 =	simm.s32 $0x108;
	s8 =	sld [smem:$0x3FB2]  }
0x2e: {  	s3 =	simm.s32 @!p0 $0x1082;
	s9 =	sld [smem:$0x3FB3]  }
0x2f: {  	lr =	sadd.s32 s0, s3;
	s0 =	sld [smem:$0x3FAA]  }
0x30: {  	s3 =	sld [smem:$0x3FAD]  }
0x31: {  	[smem:$0x3FB6] =	sst s10  }
0x32: {  	s10 =	sld [smem:$0x3FB4];
	_ =	sdelay $0x3  }
0x33: {  	p0 =	seq.s32 s10, $0x1;
	s10 =	sld [smem:$0x3FB6];
	_ =	sdelay $0x3  }
0x34: {  	[smem:$0x3FB6] =	sst s10  }
0x35: {  	s10 =	sld [smem:$0x3FB5];
	_ =	sdelay $0x3  }
0x36: {  	p1 =	seq.s32 s10, $0x1;
	s10 =	sld [smem:$0x3FB6];
	_ =	sdelay $0x3  }
0x37: {  	[smem:$0x3FB6] =	sst s10  }
0x38: {  	s10 =	sld [smem:$0x3FB7]  }
0x39: {  	_ = 	snop;
	(pc) =	sbr.ind lr, $3  }
0x3a: {  	_ = 	snop  }
0x3b: {  	_ = 	snop  }
0x3c: {  	p2 =	seq.s32 s10, $0x1;
	s10 =	sld [smem:$0x3FB6]  }
0x3d: {  	_ =	shalt  }
0x3e: {  	_ =	shalt  }
0x3f: {  	_ =	shalt  }
0x40: {  	_ =	shalt  }
0x41: {  	_ =	shalt  }
0x42: {  	_ =	shalt  }
0x43: {  	_ =	shalt  }
0x44: {  	_ =	shalt  }
0x45: {  	_ =	shalt  }
0x46: {  	_ =	shalt  }
0x47: {  	_ =	shalt  }
0x48: {  	_ =	shalt  }
0x49: {  	_ =	shalt  }
0x4a: {  	_ =	shalt  }
0x4b: {  	_ =	shalt  }
0x4c: {  	_ =	shalt  }
0x4d: {  	_ =	shalt  }
0x4e: {  	_ =	shalt  }
0x4f: {  	_ =	shalt  }
0x50: {  	_ =	shalt  }
0x51: {  	_ =	shalt  }
0x52: {  	_ =	shalt  }
0x53: {  	_ =	shalt  }
0x54: {  	_ =	shalt  }
0x55: {  	_ =	shalt  }
0x56: {  	_ =	shalt  }
0x57: {  	_ =	shalt  }
0x58: {  	_ =	shalt  }
0x59: {  	_ =	shalt  }
0x5a: {  	_ =	shalt  }
0x5b: {  	_ =	shalt  }
0x5c: {  	_ =	shalt  }
0x5d: {  	_ =	shalt  }
0x5e: {  	_ =	shalt  }
0x5f: {  	_ =	shalt  }
0x60: {  	_ =	shalt  }
0x61: {  	_ =	shalt  }
0x62: {  	_ =	shalt  }
0x63: {  	_ =	shalt  }
0x64: {  	_ =	shalt  }
0x65: {  	_ =	shalt  }
0x66: {  	_ =	shalt  }
0x67: {  	_ =	shalt  }
0x68: {  	_ =	shalt  }
0x69: {  	_ =	shalt  }
0x6a: {  	_ =	shalt  }
0x6b: {  	_ =	shalt  }
0x6c: {  	_ =	shalt  }
0x6d: {  	_ =	shalt  }
0x6e: {  	_ =	shalt  }
0x6f: {  	_ =	shalt  }
0x70: {  	_ =	shalt  }
0x71: {  	_ =	shalt  }
0x72: {  	_ =	shalt  }
0x73: {  	_ =	shalt  }
0x74: {  	_ =	shalt  }
0x75: {  	_ =	shalt  }
0x76: {  	_ =	shalt  }
0x77: {  	_ =	shalt  }
0x78: {  	_ =	shalt  }
0x79: {  	_ =	shalt  }
0x7a: {  	_ =	shalt  }
0x7b: {  	_ =	shalt  }
0x7c: {  	_ =	shalt  }
0x7d: {  	_ =	shalt  }
0x7e: {  	_ =	shalt  }
0x7f: {  	_ =	shalt  }
0x80: {  	_ =	shalt  }
0x81: {  	_ =	shalt  }
0x82: {  	_ =	shalt  }
0x83: {  	_ =	shalt  }
0x84: {  	_ =	shalt  }
0x85: {  	_ =	shalt  }
0x86: {  	_ =	shalt  }
0x87: {  	_ =	shalt  }
.Lfunc_end0:
.L_simem_size_0:
called_computation.1_lowered:
.L_overlay_start_0:
0x88: {  	s2 =	sld [smem:$0x3FD9]  }
0x89: {  	s3 =	sld [smem:$0x3FFE];
	_ =	sdelay $0x1  }
0x8a: {  	s1 =	srdreg.scid  }
0x8b: {  	s0 =	sand.u32 $0x1, s1  }
0x8c: {  	s16 =	sshll.u32 s0, $0xA;
	s2 =	sadd.s32 s3, s2  }
0x8d: {  	s2 =	sadd.s32 s2, s16  }
0x8e: {  	[smem:$0x3FC2] =	sst s2  }
0x8f: {  	_ = 	snop  }
0x90: {  	(tm) =	ssettm $0x1  }
0x91: {  	s17 =	sld [smem:$0x3FFB];
	_ =	sdelay $0x3  }
0x92: {  	_ =	strace s17  }
0x93: {  	s2 =	sld [smem:$0x3FFC];
	_ =	sdelay $0x3  }
0x94: {  	_ =	strace s2  }
0x95: {  	s2 =	sld [smem:$0x3FFD];
	_ =	sdelay $0x3  }
0x96: {  	_ =	strace s2  }
0x97: {  	_ =	strace $0x8FFFFFFF  }
0x98: {  	s18 =	sld [smem:$0x3FDB];
	_ =	sdelay $0x1  }
0x99: {  	s19 =	simm.s32 $_scs_section_size  }
0x9a: {  	s4 =	simm.s32 $_size__tile_overlayer_lowered;
	s5 =	simm.s32 $_tile_overlayer_lowered  }
0x9b: {  	s22 =	simm.s32 $0x1BFF;
	s21 =	sshll.u32 s5, $0x1;
	s2 =	sadd.s32 s19, s18  }
0x9c: {  	s6 =	simm.s32 $0x0;
	s20 =	sshll.u32 s4, $0x1;
	s4 =	sadd.s32 s21, s2  }
0x9d: {  	[timem:s6], [sflag:s22] =	dma.local [hbm:s4], s20  }
0x9e: {  	_ =	swait.ge [sflag:s22], s20  }
0x9f: {  	s3 =	ssub.s32 $0x0, s20;
	[sflag:s22] =	ssyncset.done $0x0  }
0xa0: {  	[sflag:s22] =	ssyncadd.s32 s3;
	_ =	sdelay $0x1  }
0xa1: {  	s23 =	simm.s32 $0x1B8B  }
0xa2: {  	_ =	swait.ge [sflag:s23], $0x1  }
0xa3: {  	[sflag:s23] =	ssyncset.done $0x0  }
0xa4: {  	s25 =	simm.s32 $0x1B8E;
	s24 =	sld [smem:$0x3FFE];
	[sflag:s23] =	ssyncadd.s32 $0xFFFFFFFF  }
0xa5: {  	s26 =	simm.s32 $execute0_lowered;
	[smem:$0x3FD2] =	sst s25  }
0xa6: {  	s4 =	sshll.u32 s26, $0x1;
	_ =	strace $0x80000049;
	[dreg:$0x1] =	wrdreg $0xFFFFFFFF  }
0xa7: {  	s28 =	simm.s32 $_size_execute0_lowered;
	s2 =	sadd.s32 s2, s4;
	[dreg:$0x0] =	wrdreg $0x0  }
0xa8: {  	s4 =	sshll.u32 s28, $0x1;
	[dreg:$0x2] =	wrdreg s2  }
0xa9: {  	[dreg:$0x3] =	wrdreg s4  }
0xaa: {  	[dreg:$0x4] =	wrdreg $0xC0  }
0xab: {  	_ =	task [dreg:s6], $0x5FFFF  }
0xac: {  	[dreg:$0x1] =	wrdreg $0xFFFFFFFF  }
0xad: {  	[dreg:$0x0] =	wrdreg $0x60  }
0xae: {  	[dreg:$0x2] =	wrdreg s24  }
0xaf: {  	[dreg:$0x3] =	wrdreg $0x52000  }
0xb0: {  	[dreg:$0x4] =	wrdreg $0x9  }
0xb1: {  	_ =	task.clear_ibuf [dreg:s6], $0x5FFFF;
	_ =	strace $0x90000049  }
0xb2: {  	s29 =	simm.s32 $0x9;
	_ =	strace $0x8000004B  }
0xb3: {  	_ =	swait.ge [sflag:s29], $0x1  }
0xb4: {  	[sflag:s29] =	ssyncadd.s32 $0xFFFFFFFF  }
0xb5: {  	_ =	strace $0x9000004B  }
0xb6: {  	_ =	sfence  }
0xb7: {  	s30 =	sld [smem:$0x0];
	_ =	sdelay $0x2  }
0xb8: {  	s31 =	sshll.u32 s1, $0xD;
	s1 =	sshrl.u32 s1, $0x2  }
0xb9: {  	s3 =	sand.u32 $0x4000, s31;
	s1 =	sadd.s32 s1, s30  }
0xba: {  	s0 =	sor.u32 s3, s0;
	s1 =	sshll.u32 s1, $0x11  }
0xbb: {  	s0 =	sor.u32 s1, s0  }
0xbc: {  	s0 =	sadd.s32 $0x8F2B, s0  }
0xbd: {  	[sflag:s0] =	ssyncadd.remote.s32 $0x1  }
0xbe: {  	_ =	sfence.sel $0xFFFF  }
0xbf: {  	[dreg:$0x0] =	wrdreg $0xFFFFFFFF;
	(pc) =	sbr.abs _section_cstart, $3  }
0xc0: {  	[dreg:$0x1] =	wrdreg $0xFFFFFFFF  }
0xc1: {  	_ =	task.clear_ibuf [dreg:s6], $0x2FFFF;
	_ =	strace $0x9FFFFFFF  }
0xc2: {  	(tm) =	ssettm $0x7FFFFFFF  }
0xc3: {  	_ =	shalt  }
tec
execute0_lowered:
.L_overlay_start_1:
0x0: {  	(tag) =	ssettag $0x1  }
0x1: {  	s5 =	rddreg [dreg:$0x0];
	s2 =	stileid.u32  }
0x2: {  	s0 =	srdreg.scid;
	s8 =	smul.u32 $0x14000, s2  }
0x3: {  	s1 =	rddreg [dreg:$0x1];
	s10 =	smul.u32 $0x50000, s2  }
0x4: {  	s3 =	simm.s32 $0x0;
	s6 =	sand.u32 $0x1, s0;
	s15 =	smul.u32 $0x4E20, s2  }
0x5: {  	[smem:$0x7FF] =	sst s3;
	s12 =	sadd.s32 $0x53A00, s5;
	s4 =	smul.u32 $0x27100, s6  }
0x6: {  	s26 =	sshll.u32 s2, $0x6;
	s7 =	smul.u32 $0x140000, s6;
	_ =	strace $0x8000004A  }
0x7: {  	s21 =	ssub.s32 $0x2, s6;
	s23 =	sxor.u32 $0x1, s6;
	s17 =	smul.u32 $0x4E200, s6  }
0x8: {  	s22 =	sshrl.u32 s21, $0x1;
	s24 =	sshrl.u32 s10, $0x2;
	s25 =	smul.u32 $0x4E200, s23  }
0x9: {  	s28 =	sadd.s32 $0x4E00, s15;
	s23 =	simm.s32 $0x180;
	s9 =	sadd.s32 s4, s5  }
0xa: {  	s4 =	sadd.s32 $0x2A00, s5;
	s7 =	sadd.s32 s8, s7;
	s13 =	ssub.s32 s21, s22  }
0xb: {  	s14 =	sadd.s32 s24, s1;
	s29 =	sadd.s32 s17, s28;
	s17 =	sadd.s32 s15, s17  }
0xc: {  	s21 =	simm.s32 $0x200;
	s22 =	simm.s32 $0x100;
	s24 =	simm.s32 $0x20  }
0xd: {  	s7 =	sshrl.u32 s7, $0x3;
	s16 =	sadd.s32 $0x4000, s14;
	s18 =	sadd.s32 $0x8000, s14  }
0xe: {  	s19 =	sadd.s32 $0xC000, s14;
	s20 =	sadd.s32 $0x10000, s14;
	s6 =	sadd.s32 $0x67400, s9  }
0xf: {  	s8 =	sshrl.u32 s29, $0x3;
	s30 =	sshrl.u32 s17, $0x3;
	s15 =	sadd.s32 s15, s25  }
0x10: {  	s10 =	smax.u32 s13, $0x1;
	s13 =	sshrl.u32 s14, $0x3;
	s14 =	simm.s32 $0x2  }
0x11: {  	s11 =	sadd.s32 s7, s5;
	s5 =	sor.u32 $0x1C02, s26;
	s7 =	sadd.s32 s28, s25  }
0x12: {  	s8 =	sadd.s32 s12, s8;
	s31 =	sshrl.u32 s15, $0x3;
	s15 =	sshrl.u32 s16, $0x3  }
0x13: {  	s16 =	sshrl.u32 s18, $0x3;
	s17 =	sshrl.u32 s19, $0x3;
	s18 =	sshrl.u32 s20, $0x3  }
0x14: {  	s19 =	simm.s32 $0x1;
	s20 =	simm.s32 $0x80;
	s25 =	simm.s32 $0x4200  }
0x15: {  	s26 =	simm.s32 $0x0;
	s7 =	sshrl.u32 s7, $0x3;
	s9 =	sadd.s32 $0xB5600, s11  }
0x16: {  	s11 =	sadd.s32 s30, s12;
	s7 =	sadd.s32 s12, s7;
	s12 =	sadd.s32 s31, s12  }
.LBB2_1:
0x17: {  	[spmem:s13], [sflag:s5] =	dma.local [hbm:s4], $0x800  }
0x18: {  	_ =	swait.ge [sflag:s14], $0x800  }
0x19: {  	[sflag:s14] =	ssyncset.done $0x0  }
0x1a: {  	[sflag:s14] =	ssyncadd.s32 $0xFFFFF800  }
0x1b: {  	[spmem:s15], [sflag:s5] =	dma.local [hbm:s4], $0x800  }
0x1c: {  	_ =	swait.ge [sflag:s14], $0x800  }
0x1d: {  	[sflag:s14] =	ssyncset.done $0x0  }
0x1e: {  	[sflag:s14] =	ssyncadd.s32 $0xFFFFF800  }
0x1f: {  	[spmem:s16], [sflag:s5] =	dma.local [hbm:s4], $0x800  }
0x20: {  	_ =	swait.ge [sflag:s14], $0x800  }
0x21: {  	[sflag:s14] =	ssyncset.done $0x0  }
0x22: {  	[sflag:s14] =	ssyncadd.s32 $0xFFFFF800  }
0x23: {  	[spmem:s17], [sflag:s5] =	dma.local [hbm:s4], $0x800  }
0x24: {  	_ =	swait.ge [sflag:s14], $0x800  }
0x25: {  	[sflag:s14] =	ssyncset.done $0x0  }
0x26: {  	[sflag:s14] =	ssyncadd.s32 $0xFFFFF800  }
0x27: {  	[spmem:s18], [sflag:s5] =	dma.local [hbm:s4], $0x800  }
0x28: {  	_ =	swait.ge [sflag:s14], $0x800  }
0x29: {  	[sflag:s14] =	ssyncset.done $0x0  }
0x2a: {  	[sflag:s14] =	ssyncadd.s32 $0xFFFFF800  }
0x2b: {  	s28 =	sadd.s32 $0x0, s12;
	[bflag:$0x0] =	sbarrier.arrive $0xFFFF  }
0x2c: {  	[tilespmem:s3], [sflag:$0x1] =	stream.linear.gather [hbm4b:s28+s3], $0x80, $0x38;
	[tilespmem:$0x19200] =	vst v63  }
0x2d: {  	_ =	swait.ge [sflag:s19], $0x80  }
0x2e: {  	[sflag:s19] =	ssyncset.done $0x0  }
0x2f: {  	s28 =	sadd.s32 $0x0, s11;
	[sflag:s19] =	ssyncadd.s32 $0xFFFFFF80  }
0x30: {  	[tilespmem:s20], [sflag:$0x1] =	stream.linear.gather [hbm4b:s28+s3], $0x80, $0x38;
	[tilespmem:$0x19200] =	vst v63  }
0x31: {  	_ =	swait.ge [sflag:s19], $0x80  }
0x32: {  	[sflag:s19] =	ssyncset.done $0x0  }
0x33: {  	[sflag:s19] =	ssyncadd.s32 $0xFFFFFF80  }
0x34: {  	[tilespmem:s21], [sflag:$0x1] =	stream.indirect.gather [hbm4b:s6+s20], $0x80, s3, s20, $0xb8;
	[tilespmem:$0x19200] =	vst v63  }
0x35: {  	_ =	swait.ge [sflag:s19], $0x4000  }
0x36: {  	[sflag:s19] =	ssyncset.done $0x0  }
0x37: {  	[sflag:s19] =	ssyncadd.s32 $0xFFFFC000  }
0x38: {  	[spmem:s1] =	stream.indirect.scatter.add.f32 [tilespmem:s21], [sflag:$0x2], $0x80, s20, s20, $0xb8;
	[tilespmem:$0x19200] =	vst v63  }
0x39: {  	_ =	swait.ge [sflag:s14], $0x4000  }
0x3a: {  	s29 =	simm.s32 $0x20;
	s28 =	simm.s32 $0x10;
	[sflag:s14] =	ssyncset.done $0x0  }
.LBB2_2:
0x3b: {  	s30 =	sadd.s32 s28, s12  }
0x3c: {  	[sflag:s14] =	ssyncadd.s32 $0xFFFFC000;
	s31 =	smov.u32 s29;
	s0 =	sadd.s32 $0x10, s29  }
0x3d: {  	[tilespmem:s3], [sflag:$0x1] =	stream.linear.gather [hbm4b:s30+s3], $0x80, $0x38;
	[tilespmem:$0x19200] =	vst v63  }
0x3e: {  	p0 =	sne.s32 s29, $0x9B0;
	_ =	swait.ge [sflag:s19], $0x80  }
0x3f: {  	[sflag:s19] =	ssyncset.done $0x0  }
0x40: {  	s29 =	sadd.s32 s28, s11;
	s28 =	smov.u32 s31;
	[sflag:s19] =	ssyncadd.s32 $0xFFFFFF80  }
0x41: {  	[tilespmem:s20], [sflag:$0x1] =	stream.linear.gather [hbm4b:s29+s3], $0x80, $0x38;
	[tilespmem:$0x19200] =	vst v63  }
0x42: {  	_ =	swait.ge [sflag:s19], $0x80  }
0x43: {  	[sflag:s19] =	ssyncset.done $0x0  }
0x44: {  	[sflag:s19] =	ssyncadd.s32 $0xFFFFFF80  }
0x45: {  	[tilespmem:s21], [sflag:$0x1] =	stream.indirect.gather [hbm4b:s6+s20], $0x80, s3, s20, $0xb8;
	[tilespmem:$0x19200] =	vst v63  }
0x46: {  	_ =	swait.ge [sflag:s19], $0x4000  }
.Ltmp0:
0x47: {  	[sflag:s19] =	ssyncset.done $0x0;
	(pc) =	sbr.rel @p0 .LBB2_2-.Ltmp0, $4  }
0x48: {  	[sflag:s19] =	ssyncadd.s32 $0xFFFFC000  }
0x49: {  	[spmem:s1] =	stream.indirect.scatter.add.f32 [tilespmem:s21], [sflag:$0x2], $0x80, s20, s20, $0xb8;
	[tilespmem:$0x19200] =	vst v63  }
0x4a: {  	_ =	swait.ge [sflag:s14], $0x4000  }
0x4b: {  	s29 =	smov.u32 s0;
	[sflag:s14] =	ssyncset.done $0x0  }
0x4c: {  	s0 =	sadd.s32 s28, s12;
	[sflag:s14] =	ssyncadd.s32 $0xFFFFC000  }
0x4d: {  	[tilespmem:s3], [sflag:$0x1] =	stream.linear.gather [hbm4b:s0+s3], $0x80, $0x38;
	[tilespmem:$0x19200] =	vst v63  }
0x4e: {  	_ =	swait.ge [sflag:s19], $0x80  }
0x4f: {  	[sflag:s19] =	ssyncset.done $0x0  }
0x50: {  	s31 =	sadd.s32 s28, s11;
	[sflag:s19] =	ssyncadd.s32 $0xFFFFFF80  }
0x51: {  	[tilespmem:s20], [sflag:$0x1] =	stream.linear.gather [hbm4b:s31+s3], $0x80, $0x38;
	[tilespmem:$0x19200] =	vst v63  }
0x52: {  	_ =	swait.ge [sflag:s19], $0x80  }
0x53: {  	[sflag:s19] =	ssyncset.done $0x0  }
0x54: {  	[sflag:s19] =	ssyncadd.s32 $0xFFFFFF80  }
0x55: {  	[tilespmem:s21], [sflag:$0x1] =	stream.indirect.gather [hbm4b:s6+s20], $0x80, s3, s20, $0xb8;
	[tilespmem:$0x19200] =	vst v63  }
0x56: {  	_ =	swait.ge [sflag:s19], $0x4000  }
0x57: {  	[sflag:s19] =	ssyncset.done $0x0  }
0x58: {  	[sflag:s19] =	ssyncadd.s32 $0xFFFFC000  }
0x59: {  	[spmem:s1] =	stream.indirect.scatter.add.f32 [tilespmem:s21], [sflag:$0x2], $0x80, s20, s20, $0xb8;
	[tilespmem:$0x19200] =	vst v63  }
0x5a: {  	_ =	swait.ge [sflag:s14], $0x4000  }
0x5b: {  	[sflag:s14] =	ssyncset.done $0x0  }
0x5c: {  	[sflag:s14] =	ssyncadd.s32 $0xFFFFC000  }
0x5d: {  	[tilespmem:s22], [sflag:$0x1] =	stream.linear.gather [hbm4b:s7+s3], $0x20, $0x38;
	[tilespmem:$0x19200] =	vst v63  }
0x5e: {  	_ =	swait.ge [sflag:s19], $0x20  }
0x5f: {  	[sflag:s19] =	ssyncset.done $0x0  }
0x60: {  	[sflag:s19] =	ssyncadd.s32 $0xFFFFFFE0  }
0x61: {  	[tilespmem:s23], [sflag:$0x1] =	stream.linear.gather [hbm4b:s8+s3], $0x20, $0x38;
	[tilespmem:$0x19200] =	vst v63  }
0x62: {  	_ =	swait.ge [sflag:s19], $0x20  }
0x63: {  	[sflag:s19] =	ssyncset.done $0x0  }
0x64: {  	[sflag:s19] =	ssyncadd.s32 $0xFFFFFFE0  }
0x65: {  	[tilespmem:s25], [sflag:$0x1] =	stream.indirect.gather [hbm4b:s6+s24], $0x80, s22, s24, $0xb8;
	[tilespmem:$0x19200] =	vst v63  }
0x66: {  	_ =	swait.ge [sflag:s19], $0x1000  }
0x67: {  	[sflag:s19] =	ssyncset.done $0x0  }
0x68: {  	[sflag:s19] =	ssyncadd.s32 $0xFFFFF000  }
0x69: {  	[spmem:s1] =	stream.indirect.scatter.add.f32 [tilespmem:s25], [sflag:$0x2], $0x80, s23, s24, $0xb8;
	[tilespmem:$0x19200] =	vst v63  }
0x6a: {  	_ =	swait.ge [sflag:s14], $0x1000  }
0x6b: {  	s26 =	sadd.s32 $0x1, s26;
	[sflag:s14] =	ssyncset.done $0x0  }
0x6c: {  	p0 =	sne.s32 s26, s10;
	[sflag:s14] =	ssyncadd.s32 $0xFFFFF000  }
.Ltmp1:
0x6d: {  	[bflag:$0x0] =	sbarrier.arrive $0xFFFF;
	(pc) =	sbr.rel @p0 .LBB2_1-.Ltmp1, $4  }
0x6e: {  	[hbm:s9], [sflag:s5] =	dma.local [spmem:s13], $0x2800  }
0x6f: {  	_ =	swait.ge [sflag:s14], $0x2800  }
0x70: {  	[sflag:s14] =	ssyncset.done $0x0  }
0x71: {  	[sflag:s14] =	ssyncadd.s32 $0xFFFFD800  }
0x72: {  	_ =	sfence.sel $0x180000  }
0x73: {  	[bflag:$0x0] =	sbarrier.arrive $0xFFFF  }
0x74: {  	_ =	strace $0x9000004A  }
0x75: {  	[bflag:$0x2] =	sbarrier.arrive $0xFFFF  }
0x76: {  	p0 =	sne.s32 s2, $0x0;
	s0 =	rddreg [dreg:$0x2]  }
0x77: {  	s0 =	sadd.s32 @!p0 $0x100000, s0  }
0x78: {  	[sflag:s0] =	ssyncadd.tile.s32 @!p0 $0x1;
	_ =	shalt  }
.Lfunc_end2:
_tile_overlayer_lowered:
.L_overlay_start_2:
0x79: {  	(tag) =	ssettag $0x2  }
0x7a: {  	s0 =	rddreg [dreg:$0x0];
	s2 =	stileid.u32  }
0x7b: {  	s1 =	rddreg [dreg:$0x1];
	p0 =	sne.s32 s2, $0x0  }
0x7c: {  	s3 =	rddreg [dreg:$0x2];
	[bflag:$0x3] =	sbarrier.arrive $0xFFFF;
	s2 =	simm.s32 @!p0 $0x1C02  }
0x7d: {  	[timem:s3], [sflag:s2] =	dma.local @!p0 [hbm:s0], s1  }
0x7e: {  	s0 =	simm.s32 @!p0 $0x2  }
0x7f: {  	_ =	swait.ge @!p0 [sflag:s0], s1  }
0x80: {  	s1 =	ssub.s32 @!p0 $0x0, s1;
	[sflag:s0] =	ssyncset.done @!p0 $0x0  }
0x81: {  	[sflag:s0] =	ssyncadd.s32 @!p0 s1  }
0x82: {  	[bflag:$0x3] =	sbarrier.arrive $0xFFFF  }
0x83: {  	_ =	shalt  }

</sc_bundles>
